<compile_context>
chip_gen: v7x
topology: tpu7x:2x2x1
jax: 0.10.2.dev20260603
libtpu: 0.0.44.dev20260713+nightly
codegen_flags: <defaults>
</compile_context>

<pallas_src>
import functools

import jax
import jax.numpy as jnp
from jax import lax
from jax.experimental import pallas as pl
from jax.experimental.pallas import tpu as pltpu
from jax.experimental.pallas import tpu_sc as plsc

B = 16384
D = 128
S = 5

_info = plsc.get_sparse_core_info()
_NC = _info.num_cores
_NS = _info.num_subcores
_NW = _NC * _NS

_C = 256
_NB = 3
_K = 2


def _build():
    bpw = B // _NW
    tot = (2 + S) * bpw

    mesh = plsc.VectorSubcoreMesh(core_axis_name="c", subcore_axis_name="s")

    @functools.partial(
        pl.kernel,
        mesh=mesh,
        out_type=(
            jax.ShapeDtypeStruct((B, D), jnp.float32),
            jax.ShapeDtypeStruct((B, D), jnp.float32),
            jax.ShapeDtypeStruct((S * B, D), jnp.float32),
        ),
        scratch_types=[
            pltpu.VMEM((tot,), jnp.int32),
            pltpu.VMEM((_NB, _C, D), jnp.float32),
            pltpu.SemaphoreType.DMA,
        ] + [pltpu.SemaphoreType.DMA] * (2 * _NB),
    )
    def k(iw_hbm, ow_hbm, nwt_hbm, inp_hbm, oemb_hbm,
          o_inp, o_out, o_noise, idx_v, rows_v, isem, *sems):
        gsems = sems[:_NB]
        ssems = sems[_NB:]
        wid = lax.axis_index("s") * _NC + lax.axis_index("c")
        base = wid * bpw

        i_h = [
            pltpu.async_copy(iw_hbm.at[pl.ds(base, bpw)],
                             idx_v.at[pl.ds(0, bpw)], isem),
            pltpu.async_copy(ow_hbm.at[pl.ds(base, bpw)],
                             idx_v.at[pl.ds(bpw, bpw)], isem),
        ] + [
            pltpu.async_copy(nwt_hbm.at[pl.ds(g * B + base, bpw)],
                             idx_v.at[pl.ds((2 + g) * bpw, bpw)], isem)
            for g in range(S)
        ]

        chunks = []
        for i in range(bpw // _C):
            chunks.append((i * _C, inp_hbm, o_inp, base + i * _C))
        for i in range(bpw // _C):
            chunks.append((bpw + i * _C, oemb_hbm, o_out, base + i * _C))
        for g in range(S):
            for i in range(bpw // _C):
                chunks.append(((2 + g) * bpw + i * _C, oemb_hbm, o_noise,
                               g * B + base + i * _C))

        n = len(chunks)
        g_h = [None] * n
        s_h = [None] * n

        def store(j):
            _, _, out_hbm, row = chunks[j]
            return pltpu.async_copy(
                rows_v.at[j % _NB], out_hbm.at[pl.ds(row, _C)],
                ssems[j % _NB])

        staged = 0
        for j in range(n):
            idx_off, table, _, _ = chunks[j]
            region = idx_off // bpw
            while staged <= region:
                i_h[staged].wait()
                staged += 1
            if j >= _NB:
                s_h[j - _NB].wait()
            g_h[j] = pltpu.async_copy(
                table.at[idx_v.at[pl.ds(idx_off, _C)]],
                rows_v.at[j % _NB], gsems[j % _NB])
            if j >= _K:
                g_h[j - _K].wait()
                s_h[j - _K] = store(j - _K)

        for j in range(n - _K, n):
            g_h[j].wait()
            s_h[j] = store(j)
        for j in range(max(n - _NB, 0), n):
            if s_h[j] is not None:
                s_h[j].wait()

    return k


_kernel = _build()


def kernel(input_words, output_words, noise_words, inp_embed, out_embed):
    iw = input_words.astype(jnp.int32)
    ow = output_words.astype(jnp.int32)
    nwt = noise_words.astype(jnp.int32).T.reshape(-1)
    o_inp, o_out, o_noise = _kernel(iw, ow, nwt, inp_embed, out_embed)
    return (o_inp, o_out, o_noise.reshape(S, B, D).transpose(1, 0, 2))

# --- scband reference (transcript-rebuilt; emitter-appended) ---
"""Pipeline reference for scband-skip-gram-neg-17111149707766 (READ-ONLY COPY).

The authoritative reference and input builder live on the scoring server;
editing this copy changes nothing except your own understanding.
"""

import jax, jax.numpy as jnp
import numpy as np

N_VOCAB = 100000
N_EMBED = 128
BATCH = 16384
N_SAMPLES = 5


def setup_inputs(seed: int = 0) -> dict:
    key = jax.random.key(seed)
    k1, k2, k3, k4, k5 = jax.random.split(key, 5)
    input_words = jax.random.randint(k1, (BATCH,), 0, N_VOCAB, dtype=jnp.int64 if jax.config.jax_enable_x64 else jnp.int32)
    output_words = jax.random.randint(k2, (BATCH,), 0, N_VOCAB, dtype=jnp.int64 if jax.config.jax_enable_x64 else jnp.int32)
    noise_words = jax.random.randint(k3, (BATCH, N_SAMPLES), 0, N_VOCAB, dtype=jnp.int64 if jax.config.jax_enable_x64 else jnp.int32)
    # Embedding tables initialized uniform(-1, 1) as in the torch module
    inp_embed = jax.random.uniform(k4, (N_VOCAB, N_EMBED), dtype=jnp.float32, minval=-1.0, maxval=1.0)
    out_embed = jax.random.uniform(k5, (N_VOCAB, N_EMBED), dtype=jnp.float32, minval=-1.0, maxval=1.0)
    return {
        "input_words": input_words,
        "output_words": output_words,
        "noise_words": noise_words,
        "inp_embed": inp_embed,
        "out_embed": out_embed,
    }


def reference(input_words, output_words, noise_words, inp_embed, out_embed):
    # forward_input: input-word embedding lookup
    inp_vectors = jnp.take(inp_embed, input_words, axis=0)
    # forward_output: context-word embedding lookup
    out_vectors = jnp.take(out_embed, output_words, axis=0)
    # forward_noise: negative-sample embedding lookup, reshaped to [B, n_samples, d]
    b, s = noise_words.shape
    noise_vectors = jnp.take(out_embed, noise_words.reshape(-1), axis=0).reshape(b, s, -1)
    return (inp_vectors, out_vectors, noise_vectors)

if __name__ == "__main__":
    import jax
    _d = setup_inputs()
    print(jax.jit(kernel)(*tuple(_d.values())))

</pallas_src>

<mosaic_0001>
#map = affine_map<(d0, d1) -> (0)>
#map1 = affine_map<(d0, d1) -> (0, 0)>
module attributes {stable_mosaic.version = 14 : i64} {
  func.func @k(%arg0: i32, %arg1: i32, %arg2: memref<16384xi32, #tpu.memory_space<hbm>>, %arg3: memref<16384xi32, #tpu.memory_space<hbm>>, %arg4: memref<81920xi32, #tpu.memory_space<hbm>>, %arg5: memref<100000x128xf32, #tpu.memory_space<hbm>>, %arg6: memref<100000x128xf32, #tpu.memory_space<hbm>>, %arg7: memref<16384x128xf32, #tpu.memory_space<hbm>>, %arg8: memref<16384x128xf32, #tpu.memory_space<hbm>>, %arg9: memref<81920x128xf32, #tpu.memory_space<hbm>>, %arg10: memref<3584xi32, #tpu.memory_space<vmem>>, %arg11: memref<3x256x128xf32, #tpu.memory_space<vmem>>, %arg12: memref<!tpu.dma_semaphore, #tpu.memory_space<semaphore_mem>>, %arg13: memref<!tpu.dma_semaphore, #tpu.memory_space<semaphore_mem>>, %arg14: memref<!tpu.dma_semaphore, #tpu.memory_space<semaphore_mem>>, %arg15: memref<!tpu.dma_semaphore, #tpu.memory_space<semaphore_mem>>, %arg16: memref<!tpu.dma_semaphore, #tpu.memory_space<semaphore_mem>>, %arg17: memref<!tpu.dma_semaphore, #tpu.memory_space<semaphore_mem>>, %arg18: memref<!tpu.dma_semaphore, #tpu.memory_space<semaphore_mem>>) attributes {dimension_semantics = [#tpu.dimension_semantics<core_parallel>, #tpu.dimension_semantics<subcore_parallel>], iteration_bounds = array<i64: 2, 16>, scalar_prefetch = 0 : i64, scratch_operands = 9 : i64, tpu.core_type = #tpu.core_type<sc_vector_subcore>, window_params = [{transform_indices = #map}, {transform_indices = #map}, {transform_indices = #map}, {transform_indices = #map1}, {transform_indices = #map1}, {transform_indices = #map1}, {transform_indices = #map1}, {transform_indices = #map1}]} {
    %mul3A = arith.constant 2 : i32
    %mul3A_0 = arith.muli %arg1, %mul3A : i32
    %add3A = arith.addi %mul3A_0, %arg0 : i32
    %mul3A_1 = arith.constant 512 : i32
    %mul3A_2 = arith.muli %add3A, %mul3A_1 : i32
    %dma_start3A = arith.constant 0 : i32
    %dma_start3A_3 = tpu.memref_slice %arg10[%dma_start3A] : memref<3584xi32, #tpu.memory_space<vmem>> -> memref<512xi32, #tpu.memory_space<vmem>>
    %dma_start3A_4 = tpu.memref_slice %arg2[%mul3A_2] : memref<16384xi32, #tpu.memory_space<hbm>> -> memref<512xi32, #tpu.memory_space<hbm>>
    %dma_start3A_5 = arith.constant 0 : i32
    %dma_start3A_6 = tpu.memref_slice %arg10[%dma_start3A_5] : memref<3584xi32, #tpu.memory_space<vmem>> -> memref<512xi32, #tpu.memory_space<vmem>>
    %dma_start3A_7 = tpu.memref_slice %arg2[%mul3A_2] : memref<16384xi32, #tpu.memory_space<hbm>> -> memref<512xi32, #tpu.memory_space<hbm>>
    tpu.enqueue_dma source(%dma_start3A_7 : memref<512xi32, #tpu.memory_space<hbm>>) target(%dma_start3A_6 : memref<512xi32, #tpu.memory_space<vmem>>) target_semaphore(%arg12 : memref<!tpu.dma_semaphore, #tpu.memory_space<semaphore_mem>>)
    %dma_start3A_8 = arith.constant 512 : i32
    %dma_start3A_9 = tpu.memref_slice %arg10[%dma_start3A_8] : memref<3584xi32, #tpu.memory_space<vmem>> -> memref<512xi32, #tpu.memory_space<vmem>>
    %dma_start3A_10 = tpu.memref_slice %arg3[%mul3A_2] : memref<16384xi32, #tpu.memory_space<hbm>> -> memref<512xi32, #tpu.memory_space<hbm>>
    %dma_start3A_11 = arith.constant 512 : i32
    %dma_start3A_12 = tpu.memref_slice %arg10[%dma_start3A_11] : memref<3584xi32, #tpu.memory_space<vmem>> -> memref<512xi32, #tpu.memory_space<vmem>>
    %dma_start3A_13 = tpu.memref_slice %arg3[%mul3A_2] : memref<16384xi32, #tpu.memory_space<hbm>> -> memref<512xi32, #tpu.memory_space<hbm>>
    tpu.enqueue_dma source(%dma_start3A_13 : memref<512xi32, #tpu.memory_space<hbm>>) target(%dma_start3A_12 : memref<512xi32, #tpu.memory_space<vmem>>) target_semaphore(%arg12 : memref<!tpu.dma_semaphore, #tpu.memory_space<semaphore_mem>>)
    %add3A_14 = arith.constant 0 : i32
    %add3A_15 = arith.addi %add3A_14, %mul3A_2 : i32
    %dma_start3A_16 = arith.constant 1024 : i32
    %dma_start3A_17 = tpu.memref_slice %arg10[%dma_start3A_16] : memref<3584xi32, #tpu.memory_space<vmem>> -> memref<512xi32, #tpu.memory_space<vmem>>
    %dma_start3A_18 = tpu.memref_slice %arg4[%add3A_15] : memref<81920xi32, #tpu.memory_space<hbm>> -> memref<512xi32, #tpu.memory_space<hbm>>
    %dma_start3A_19 = arith.constant 1024 : i32
    %dma_start3A_20 = tpu.memref_slice %arg10[%dma_start3A_19] : memref<3584xi32, #tpu.memory_space<vmem>> -> memref<512xi32, #tpu.memory_space<vmem>>
    %dma_start3A_21 = tpu.memref_slice %arg4[%add3A_15] : memref<81920xi32, #tpu.memory_space<hbm>> -> memref<512xi32, #tpu.memory_space<hbm>>
    tpu.enqueue_dma source(%dma_start3A_21 : memref<512xi32, #tpu.memory_space<hbm>>) target(%dma_start3A_20 : memref<512xi32, #tpu.memory_space<vmem>>) target_semaphore(%arg12 : memref<!tpu.dma_semaphore, #tpu.memory_space<semaphore_mem>>)
    %add3A_22 = arith.constant 16384 : i32
    %add3A_23 = arith.addi %add3A_22, %mul3A_2 : i32
    %dma_start3A_24 = arith.constant 1536 : i32
    %dma_start3A_25 = tpu.memref_slice %arg10[%dma_start3A_24] : memref<3584xi32, #tpu.memory_space<vmem>> -> memref<512xi32, #tpu.memory_space<vmem>>
    %dma_start3A_26 = tpu.memref_slice %arg4[%add3A_23] : memref<81920xi32, #tpu.memory_space<hbm>> -> memref<512xi32, #tpu.memory_space<hbm>>
    %dma_start3A_27 = arith.constant 1536 : i32
    %dma_start3A_28 = tpu.memref_slice %arg10[%dma_start3A_27] : memref<3584xi32, #tpu.memory_space<vmem>> -> memref<512xi32, #tpu.memory_space<vmem>>
    %dma_start3A_29 = tpu.memref_slice %arg4[%add3A_23] : memref<81920xi32, #tpu.memory_space<hbm>> -> memref<512xi32, #tpu.memory_space<hbm>>
    tpu.enqueue_dma source(%dma_start3A_29 : memref<512xi32, #tpu.memory_space<hbm>>) target(%dma_start3A_28 : memref<512xi32, #tpu.memory_space<vmem>>) target_semaphore(%arg12 : memref<!tpu.dma_semaphore, #tpu.memory_space<semaphore_mem>>)
    %add3A_30 = arith.constant 32768 : i32
    %add3A_31 = arith.addi %add3A_30, %mul3A_2 : i32
    %dma_start3A_32 = arith.constant 2048 : i32
    %dma_start3A_33 = tpu.memref_slice %arg10[%dma_start3A_32] : memref<3584xi32, #tpu.memory_space<vmem>> -> memref<512xi32, #tpu.memory_space<vmem>>
    %dma_start3A_34 = tpu.memref_slice %arg4[%add3A_31] : memref<81920xi32, #tpu.memory_space<hbm>> -> memref<512xi32, #tpu.memory_space<hbm>>
    %dma_start3A_35 = arith.constant 2048 : i32
    %dma_start3A_36 = tpu.memref_slice %arg10[%dma_start3A_35] : memref<3584xi32, #tpu.memory_space<vmem>> -> memref<512xi32, #tpu.memory_space<vmem>>
    %dma_start3A_37 = tpu.memref_slice %arg4[%add3A_31] : memref<81920xi32, #tpu.memory_space<hbm>> -> memref<512xi32, #tpu.memory_space<hbm>>
    tpu.enqueue_dma source(%dma_start3A_37 : memref<512xi32, #tpu.memory_space<hbm>>) target(%dma_start3A_36 : memref<512xi32, #tpu.memory_space<vmem>>) target_semaphore(%arg12 : memref<!tpu.dma_semaphore, #tpu.memory_space<semaphore_mem>>)
    %add3A_38 = arith.constant 49152 : i32
    %add3A_39 = arith.addi %add3A_38, %mul3A_2 : i32
    %dma_start3A_40 = arith.constant 2560 : i32
    %dma_start3A_41 = tpu.memref_slice %arg10[%dma_start3A_40] : memref<3584xi32, #tpu.memory_space<vmem>> -> memref<512xi32, #tpu.memory_space<vmem>>
    %dma_start3A_42 = tpu.memref_slice %arg4[%add3A_39] : memref<81920xi32, #tpu.memory_space<hbm>> -> memref<512xi32, #tpu.memory_space<hbm>>
    %dma_start3A_43 = arith.constant 2560 : i32
    %dma_start3A_44 = tpu.memref_slice %arg10[%dma_start3A_43] : memref<3584xi32, #tpu.memory_space<vmem>> -> memref<512xi32, #tpu.memory_space<vmem>>
    %dma_start3A_45 = tpu.memref_slice %arg4[%add3A_39] : memref<81920xi32, #tpu.memory_space<hbm>> -> memref<512xi32, #tpu.memory_space<hbm>>
    tpu.enqueue_dma source(%dma_start3A_45 : memref<512xi32, #tpu.memory_space<hbm>>) target(%dma_start3A_44 : memref<512xi32, #tpu.memory_space<vmem>>) target_semaphore(%arg12 : memref<!tpu.dma_semaphore, #tpu.memory_space<semaphore_mem>>)
    %add3A_46 = arith.constant 65536 : i32
    %add3A_47 = arith.addi %add3A_46, %mul3A_2 : i32
    %dma_start3A_48 = arith.constant 3072 : i32
    %dma_start3A_49 = tpu.memref_slice %arg10[%dma_start3A_48] : memref<3584xi32, #tpu.memory_space<vmem>> -> memref<512xi32, #tpu.memory_space<vmem>>
    %dma_start3A_50 = tpu.memref_slice %arg4[%add3A_47] : memref<81920xi32, #tpu.memory_space<hbm>> -> memref<512xi32, #tpu.memory_space<hbm>>
    %dma_start3A_51 = arith.constant 3072 : i32
    %dma_start3A_52 = tpu.memref_slice %arg10[%dma_start3A_51] : memref<3584xi32, #tpu.memory_space<vmem>> -> memref<512xi32, #tpu.memory_space<vmem>>
    %dma_start3A_53 = tpu.memref_slice %arg4[%add3A_47] : memref<81920xi32, #tpu.memory_space<hbm>> -> memref<512xi32, #tpu.memory_space<hbm>>
    tpu.enqueue_dma source(%dma_start3A_53 : memref<512xi32, #tpu.memory_space<hbm>>) target(%dma_start3A_52 : memref<512xi32, #tpu.memory_space<vmem>>) target_semaphore(%arg12 : memref<!tpu.dma_semaphore, #tpu.memory_space<semaphore_mem>>)
    %add3A_54 = arith.constant 0 : i32
    %add3A_55 = arith.addi %mul3A_2, %add3A_54 : i32
    %add3A_56 = arith.constant 256 : i32
    %add3A_57 = arith.addi %mul3A_2, %add3A_56 : i32
    %add3A_58 = arith.constant 0 : i32
    %add3A_59 = arith.addi %mul3A_2, %add3A_58 : i32
    %add3A_60 = arith.constant 256 : i32
    %add3A_61 = arith.addi %mul3A_2, %add3A_60 : i32
    %add3A_62 = arith.constant 0 : i32
    %add3A_63 = arith.addi %add3A_62, %mul3A_2 : i32
    %add3A_64 = arith.constant 0 : i32
    %add3A_65 = arith.addi %add3A_63, %add3A_64 : i32
    %add3A_66 = arith.constant 0 : i32
    %add3A_67 = arith.addi %add3A_66, %mul3A_2 : i32
    %add3A_68 = arith.constant 256 : i32
    %add3A_69 = arith.addi %add3A_67, %add3A_68 : i32
    %add3A_70 = arith.constant 16384 : i32
    %add3A_71 = arith.addi %add3A_70, %mul3A_2 : i32
    %add3A_72 = arith.constant 0 : i32
    %add3A_73 = arith.addi %add3A_71, %add3A_72 : i32
    %add3A_74 = arith.constant 16384 : i32
    %add3A_75 = arith.addi %add3A_74, %mul3A_2 : i32
    %add3A_76 = arith.constant 256 : i32
    %add3A_77 = arith.addi %add3A_75, %add3A_76 : i32
    %add3A_78 = arith.constant 32768 : i32
    %add3A_79 = arith.addi %add3A_78, %mul3A_2 : i32
    %add3A_80 = arith.constant 0 : i32
    %add3A_81 = arith.addi %add3A_79, %add3A_80 : i32
    %add3A_82 = arith.constant 32768 : i32
    %add3A_83 = arith.addi %add3A_82, %mul3A_2 : i32
    %add3A_84 = arith.constant 256 : i32
    %add3A_85 = arith.addi %add3A_83, %add3A_84 : i32
    %add3A_86 = arith.constant 49152 : i32
    %add3A_87 = arith.addi %add3A_86, %mul3A_2 : i32
    %add3A_88 = arith.constant 0 : i32
    %add3A_89 = arith.addi %add3A_87, %add3A_88 : i32
    %add3A_90 = arith.constant 49152 : i32
    %add3A_91 = arith.addi %add3A_90, %mul3A_2 : i32
    %add3A_92 = arith.constant 256 : i32
    %add3A_93 = arith.addi %add3A_91, %add3A_92 : i32
    %add3A_94 = arith.constant 65536 : i32
    %add3A_95 = arith.addi %add3A_94, %mul3A_2 : i32
    %add3A_96 = arith.constant 0 : i32
    %add3A_97 = arith.addi %add3A_95, %add3A_96 : i32
    %add3A_98 = arith.constant 65536 : i32
    %add3A_99 = arith.addi %add3A_98, %mul3A_2 : i32
    %add3A_100 = arith.constant 256 : i32
    %add3A_101 = arith.addi %add3A_99, %add3A_100 : i32
    %dma_wait3A = arith.constant 0 : i32
    %dma_wait3A_102 = tpu.memref_slice %arg10[%dma_wait3A] : memref<3584xi32, #tpu.memory_space<vmem>> -> memref<512xi32, #tpu.memory_space<vmem>>
    %dma_wait3A_103 = tpu.memref_slice %arg2[%mul3A_2] : memref<16384xi32, #tpu.memory_space<hbm>> -> memref<512xi32, #tpu.memory_space<hbm>>
    %dma_wait3A_104 = arith.constant 0 : i32
    %dma_wait3A_105 = tpu.memref_slice %arg10[%dma_wait3A_104] : memref<3584xi32, #tpu.memory_space<vmem>> -> memref<512xi32, #tpu.memory_space<vmem>>
    %dma_wait3A_106 = tpu.memref_slice %arg2[%mul3A_2] : memref<16384xi32, #tpu.memory_space<hbm>> -> memref<512xi32, #tpu.memory_space<hbm>>
    tpu.wait_dma2 semaphore(%arg12 : memref<!tpu.dma_semaphore, #tpu.memory_space<semaphore_mem>>) src(%dma_wait3A_106 : memref<512xi32, #tpu.memory_space<hbm>>) dst(%dma_wait3A_105 : memref<512xi32, #tpu.memory_space<vmem>>)
    %dma_start3A_107 = arith.constant 0 : i32
    %dma_start3A_108 = arith.constant 0 : i32
    %dma_start3A_109 = arith.constant 0 : i32
    %dma_start3A_110 = tpu.memref_slice %arg11[%dma_start3A_107, %dma_start3A_108, %dma_start3A_109] : memref<3x256x128xf32, #tpu.memory_space<vmem>> -> memref<1x256x128xf32, #tpu.memory_space<vmem>>
    %dma_start3A_111 = tpu.memref_squeeze %dma_start3A_110 : memref<1x256x128xf32, #tpu.memory_space<vmem>> -> memref<256x128xf32, #tpu.memory_space<vmem>>
    %dma_start3A_112 = arith.constant 0 : i32
    %dma_start3A_113 = tpu.memref_slice %arg10[%dma_start3A_112] : memref<3584xi32, #tpu.memory_space<vmem>> -> memref<256xi32, #tpu.memory_space<vmem>>
    %dma_start3A_114 = arith.constant 0 : i32
    %dma_start3A_115 = arith.constant 0 : i32
    %dma_start3A_116 = tpu.memref_slice %arg5[%dma_start3A_114, %dma_start3A_115] : memref<100000x128xf32, #tpu.memory_space<hbm>> -> memref<100000x128xf32, #tpu.memory_space<hbm>>
    tpu.enqueue_indirect_dma source(%dma_start3A_116 : memref<100000x128xf32, #tpu.memory_space<hbm>>) target(%dma_start3A_111 : memref<256x128xf32, #tpu.memory_space<vmem>>) offsets(%dma_start3A_113 : memref<256xi32, #tpu.memory_space<vmem>>) semaphore(%arg13 : memref<!tpu.dma_semaphore, #tpu.memory_space<semaphore_mem>>)
    %dma_start3A_117 = arith.constant 1 : i32
    %dma_start3A_118 = arith.constant 0 : i32
    %dma_start3A_119 = arith.constant 0 : i32
    %dma_start3A_120 = tpu.memref_slice %arg11[%dma_start3A_117, %dma_start3A_118, %dma_start3A_119] : memref<3x256x128xf32, #tpu.memory_space<vmem>> -> memref<1x256x128xf32, #tpu.memory_space<vmem>>
    %dma_start3A_121 = tpu.memref_squeeze %dma_start3A_120 : memref<1x256x128xf32, #tpu.memory_space<vmem>> -> memref<256x128xf32, #tpu.memory_space<vmem>>
    %dma_start3A_122 = arith.constant 256 : i32
    %dma_start3A_123 = tpu.memref_slice %arg10[%dma_start3A_122] : memref<3584xi32, #tpu.memory_space<vmem>> -> memref<256xi32, #tpu.memory_space<vmem>>
    %dma_start3A_124 = arith.constant 0 : i32
    %dma_start3A_125 = arith.constant 0 : i32
    %dma_start3A_126 = tpu.memref_slice %arg5[%dma_start3A_124, %dma_start3A_125] : memref<100000x128xf32, #tpu.memory_space<hbm>> -> memref<100000x128xf32, #tpu.memory_space<hbm>>
    tpu.enqueue_indirect_dma source(%dma_start3A_126 : memref<100000x128xf32, #tpu.memory_space<hbm>>) target(%dma_start3A_121 : memref<256x128xf32, #tpu.memory_space<vmem>>) offsets(%dma_start3A_123 : memref<256xi32, #tpu.memory_space<vmem>>) semaphore(%arg14 : memref<!tpu.dma_semaphore, #tpu.memory_space<semaphore_mem>>)
    %dma_wait3A_127 = arith.constant 512 : i32
    %dma_wait3A_128 = tpu.memref_slice %arg10[%dma_wait3A_127] : memref<3584xi32, #tpu.memory_space<vmem>> -> memref<512xi32, #tpu.memory_space<vmem>>
    %dma_wait3A_129 = tpu.memref_slice %arg3[%mul3A_2] : memref<16384xi32, #tpu.memory_space<hbm>> -> memref<512xi32, #tpu.memory_space<hbm>>
    %dma_wait3A_130 = arith.constant 512 : i32
    %dma_wait3A_131 = tpu.memref_slice %arg10[%dma_wait3A_130] : memref<3584xi32, #tpu.memory_space<vmem>> -> memref<512xi32, #tpu.memory_space<vmem>>
    %dma_wait3A_132 = tpu.memref_slice %arg3[%mul3A_2] : memref<16384xi32, #tpu.memory_space<hbm>> -> memref<512xi32, #tpu.memory_space<hbm>>
    tpu.wait_dma2 semaphore(%arg12 : memref<!tpu.dma_semaphore, #tpu.memory_space<semaphore_mem>>) src(%dma_wait3A_132 : memref<512xi32, #tpu.memory_space<hbm>>) dst(%dma_wait3A_131 : memref<512xi32, #tpu.memory_space<vmem>>)
    %dma_start3A_133 = arith.constant 2 : i32
    %dma_start3A_134 = arith.constant 0 : i32
    %dma_start3A_135 = arith.constant 0 : i32
    %dma_start3A_136 = tpu.memref_slice %arg11[%dma_start3A_133, %dma_start3A_134, %dma_start3A_135] : memref<3x256x128xf32, #tpu.memory_space<vmem>> -> memref<1x256x128xf32, #tpu.memory_space<vmem>>
    %dma_start3A_137 = tpu.memref_squeeze %dma_start3A_136 : memref<1x256x128xf32, #tpu.memory_space<vmem>> -> memref<256x128xf32, #tpu.memory_space<vmem>>
    %dma_start3A_138 = arith.constant 512 : i32
    %dma_start3A_139 = tpu.memref_slice %arg10[%dma_start3A_138] : memref<3584xi32, #tpu.memory_space<vmem>> -> memref<256xi32, #tpu.memory_space<vmem>>
    %dma_start3A_140 = arith.constant 0 : i32
    %dma_start3A_141 = arith.constant 0 : i32
    %dma_start3A_142 = tpu.memref_slice %arg6[%dma_start3A_140, %dma_start3A_141] : memref<100000x128xf32, #tpu.memory_space<hbm>> -> memref<100000x128xf32, #tpu.memory_space<hbm>>
    tpu.enqueue_indirect_dma source(%dma_start3A_142 : memref<100000x128xf32, #tpu.memory_space<hbm>>) target(%dma_start3A_137 : memref<256x128xf32, #tpu.memory_space<vmem>>) offsets(%dma_start3A_139 : memref<256xi32, #tpu.memory_space<vmem>>) semaphore(%arg15 : memref<!tpu.dma_semaphore, #tpu.memory_space<semaphore_mem>>)
    %dma_wait3A_143 = arith.constant 0 : i32
    %dma_wait3A_144 = arith.constant 0 : i32
    %dma_wait3A_145 = arith.constant 0 : i32
    %dma_wait3A_146 = tpu.memref_slice %arg11[%dma_wait3A_143, %dma_wait3A_144, %dma_wait3A_145] : memref<3x256x128xf32, #tpu.memory_space<vmem>> -> memref<1x256x128xf32, #tpu.memory_space<vmem>>
    %dma_wait3A_147 = tpu.memref_squeeze %dma_wait3A_146 : memref<1x256x128xf32, #tpu.memory_space<vmem>> -> memref<256x128xf32, #tpu.memory_space<vmem>>
    %dma_wait3A_148 = arith.constant 0 : i32
    %dma_wait3A_149 = tpu.memref_slice %arg10[%dma_wait3A_148] : memref<3584xi32, #tpu.memory_space<vmem>> -> memref<256xi32, #tpu.memory_space<vmem>>
    %dma_wait3A_150 = arith.constant 0 : i32
    %dma_wait3A_151 = arith.constant 0 : i32
    %dma_wait3A_152 = tpu.memref_slice %arg5[%dma_wait3A_150, %dma_wait3A_151] : memref<100000x128xf32, #tpu.memory_space<hbm>> -> memref<100000x128xf32, #tpu.memory_space<hbm>>
    tpu.wait_indirect_dma semaphore(%arg13 : memref<!tpu.dma_semaphore, #tpu.memory_space<semaphore_mem>>) src(%dma_wait3A_152 : memref<100000x128xf32, #tpu.memory_space<hbm>>) dst(%dma_wait3A_147 : memref<256x128xf32, #tpu.memory_space<vmem>>)
    %dma_start3A_153 = arith.constant 0 : i32
    %dma_start3A_154 = arith.constant 0 : i32
    %dma_start3A_155 = arith.constant 0 : i32
    %dma_start3A_156 = tpu.memref_slice %arg11[%dma_start3A_153, %dma_start3A_154, %dma_start3A_155] : memref<3x256x128xf32, #tpu.memory_space<vmem>> -> memref<1x256x128xf32, #tpu.memory_space<vmem>>
    %dma_start3A_157 = tpu.memref_squeeze %dma_start3A_156 : memref<1x256x128xf32, #tpu.memory_space<vmem>> -> memref<256x128xf32, #tpu.memory_space<vmem>>
    %dma_start3A_158 = arith.constant 0 : i32
    %dma_start3A_159 = tpu.memref_slice %arg7[%add3A_55, %dma_start3A_158] : memref<16384x128xf32, #tpu.memory_space<hbm>> -> memref<256x128xf32, #tpu.memory_space<hbm>>
    %dma_start3A_160 = arith.constant 0 : i32
    %dma_start3A_161 = tpu.memref_slice %arg7[%add3A_55, %dma_start3A_160] : memref<16384x128xf32, #tpu.memory_space<hbm>> -> memref<256x128xf32, #tpu.memory_space<hbm>>
    %dma_start3A_162 = arith.constant 0 : i32
    %dma_start3A_163 = arith.constant 0 : i32
    %dma_start3A_164 = tpu.memref_slice %arg11[%dma_start3A_153, %dma_start3A_162, %dma_start3A_163] : memref<3x256x128xf32, #tpu.memory_space<vmem>> -> memref<1x256x128xf32, #tpu.memory_space<vmem>>
    %dma_start3A_165 = tpu.memref_squeeze %dma_start3A_164 : memref<1x256x128xf32, #tpu.memory_space<vmem>> -> memref<256x128xf32, #tpu.memory_space<vmem>>
    tpu.enqueue_dma source(%dma_start3A_165 : memref<256x128xf32, #tpu.memory_space<vmem>>) target(%dma_start3A_161 : memref<256x128xf32, #tpu.memory_space<hbm>>) target_semaphore(%arg16 : memref<!tpu.dma_semaphore, #tpu.memory_space<semaphore_mem>>)
    %dma_wait3A_166 = arith.constant 0 : i32
    %dma_wait3A_167 = arith.constant 0 : i32
    %dma_wait3A_168 = arith.constant 0 : i32
    %dma_wait3A_169 = tpu.memref_slice %arg11[%dma_wait3A_166, %dma_wait3A_167, %dma_wait3A_168] : memref<3x256x128xf32, #tpu.memory_space<vmem>> -> memref<1x256x128xf32, #tpu.memory_space<vmem>>
    %dma_wait3A_170 = tpu.memref_squeeze %dma_wait3A_169 : memref<1x256x128xf32, #tpu.memory_space<vmem>> -> memref<256x128xf32, #tpu.memory_space<vmem>>
    %dma_wait3A_171 = arith.constant 0 : i32
    %dma_wait3A_172 = tpu.memref_slice %arg7[%add3A_55, %dma_wait3A_171] : memref<16384x128xf32, #tpu.memory_space<hbm>> -> memref<256x128xf32, #tpu.memory_space<hbm>>
    %dma_wait3A_173 = arith.constant 0 : i32
    %dma_wait3A_174 = tpu.memref_slice %arg7[%add3A_55, %dma_wait3A_173] : memref<16384x128xf32, #tpu.memory_space<hbm>> -> memref<256x128xf32, #tpu.memory_space<hbm>>
    %dma_wait3A_175 = arith.constant 0 : i32
    %dma_wait3A_176 = arith.constant 0 : i32
    %dma_wait3A_177 = tpu.memref_slice %arg11[%dma_wait3A_166, %dma_wait3A_175, %dma_wait3A_176] : memref<3x256x128xf32, #tpu.memory_space<vmem>> -> memref<1x256x128xf32, #tpu.memory_space<vmem>>
    %dma_wait3A_178 = tpu.memref_squeeze %dma_wait3A_177 : memref<1x256x128xf32, #tpu.memory_space<vmem>> -> memref<256x128xf32, #tpu.memory_space<vmem>>
    tpu.wait_dma2 semaphore(%arg16 : memref<!tpu.dma_semaphore, #tpu.memory_space<semaphore_mem>>) src(%dma_wait3A_178 : memref<256x128xf32, #tpu.memory_space<vmem>>) dst(%dma_wait3A_174 : memref<256x128xf32, #tpu.memory_space<hbm>>)
    %dma_start3A_179 = arith.constant 0 : i32
    %dma_start3A_180 = arith.constant 0 : i32
    %dma_start3A_181 = arith.constant 0 : i32
    %dma_start3A_182 = tpu.memref_slice %arg11[%dma_start3A_179, %dma_start3A_180, %dma_start3A_181] : memref<3x256x128xf32, #tpu.memory_space<vmem>> -> memref<1x256x128xf32, #tpu.memory_space<vmem>>
    %dma_start3A_183 = tpu.memref_squeeze %dma_start3A_182 : memref<1x256x128xf32, #tpu.memory_space<vmem>> -> memref<256x128xf32, #tpu.memory_space<vmem>>
    %dma_start3A_184 = arith.constant 768 : i32
    %dma_start3A_185 = tpu.memref_slice %arg10[%dma_start3A_184] : memref<3584xi32, #tpu.memory_space<vmem>> -> memref<256xi32, #tpu.memory_space<vmem>>
    %dma_start3A_186 = arith.constant 0 : i32
    %dma_start3A_187 = arith.constant 0 : i32
    %dma_start3A_188 = tpu.memref_slice %arg6[%dma_start3A_186, %dma_start3A_187] : memref<100000x128xf32, #tpu.memory_space<hbm>> -> memref<100000x128xf32, #tpu.memory_space<hbm>>
    tpu.enqueue_indirect_dma source(%dma_start3A_188 : memref<100000x128xf32, #tpu.memory_space<hbm>>) target(%dma_start3A_183 : memref<256x128xf32, #tpu.memory_space<vmem>>) offsets(%dma_start3A_185 : memref<256xi32, #tpu.memory_space<vmem>>) semaphore(%arg13 : memref<!tpu.dma_semaphore, #tpu.memory_space<semaphore_mem>>)
    %dma_wait3A_189 = arith.constant 1 : i32
    %dma_wait3A_190 = arith.constant 0 : i32
    %dma_wait3A_191 = arith.constant 0 : i32
    %dma_wait3A_192 = tpu.memref_slice %arg11[%dma_wait3A_189, %dma_wait3A_190, %dma_wait3A_191] : memref<3x256x128xf32, #tpu.memory_space<vmem>> -> memref<1x256x128xf32, #tpu.memory_space<vmem>>
    %dma_wait3A_193 = tpu.memref_squeeze %dma_wait3A_192 : memref<1x256x128xf32, #tpu.memory_space<vmem>> -> memref<256x128xf32, #tpu.memory_space<vmem>>
    %dma_wait3A_194 = arith.constant 256 : i32
    %dma_wait3A_195 = tpu.memref_slice %arg10[%dma_wait3A_194] : memref<3584xi32, #tpu.memory_space<vmem>> -> memref<256xi32, #tpu.memory_space<vmem>>
    %dma_wait3A_196 = arith.constant 0 : i32
    %dma_wait3A_197 = arith.constant 0 : i32
    %dma_wait3A_198 = tpu.memref_slice %arg5[%dma_wait3A_196, %dma_wait3A_197] : memref<100000x128xf32, #tpu.memory_space<hbm>> -> memref<100000x128xf32, #tpu.memory_space<hbm>>
    tpu.wait_indirect_dma semaphore(%arg14 : memref<!tpu.dma_semaphore, #tpu.memory_space<semaphore_mem>>) src(%dma_wait3A_198 : memref<100000x128xf32, #tpu.memory_space<hbm>>) dst(%dma_wait3A_193 : memref<256x128xf32, #tpu.memory_space<vmem>>)
    %dma_start3A_199 = arith.constant 1 : i32
    %dma_start3A_200 = arith.constant 0 : i32
    %dma_start3A_201 = arith.constant 0 : i32
    %dma_start3A_202 = tpu.memref_slice %arg11[%dma_start3A_199, %dma_start3A_200, %dma_start3A_201] : memref<3x256x128xf32, #tpu.memory_space<vmem>> -> memref<1x256x128xf32, #tpu.memory_space<vmem>>
    %dma_start3A_203 = tpu.memref_squeeze %dma_start3A_202 : memref<1x256x128xf32, #tpu.memory_space<vmem>> -> memref<256x128xf32, #tpu.memory_space<vmem>>
    %dma_start3A_204 = arith.constant 0 : i32
    %dma_start3A_205 = tpu.memref_slice %arg7[%add3A_57, %dma_start3A_204] : memref<16384x128xf32, #tpu.memory_space<hbm>> -> memref<256x128xf32, #tpu.memory_space<hbm>>
    %dma_start3A_206 = arith.constant 0 : i32
    %dma_start3A_207 = tpu.memref_slice %arg7[%add3A_57, %dma_start3A_206] : memref<16384x128xf32, #tpu.memory_space<hbm>> -> memref<256x128xf32, #tpu.memory_space<hbm>>
    %dma_start3A_208 = arith.constant 0 : i32
    %dma_start3A_209 = arith.constant 0 : i32
    %dma_start3A_210 = tpu.memref_slice %arg11[%dma_start3A_199, %dma_start3A_208, %dma_start3A_209] : memref<3x256x128xf32, #tpu.memory_space<vmem>> -> memref<1x256x128xf32, #tpu.memory_space<vmem>>
    %dma_start3A_211 = tpu.memref_squeeze %dma_start3A_210 : memref<1x256x128xf32, #tpu.memory_space<vmem>> -> memref<256x128xf32, #tpu.memory_space<vmem>>
    tpu.enqueue_dma source(%dma_start3A_211 : memref<256x128xf32, #tpu.memory_space<vmem>>) target(%dma_start3A_207 : memref<256x128xf32, #tpu.memory_space<hbm>>) target_semaphore(%arg17 : memref<!tpu.dma_semaphore, #tpu.memory_space<semaphore_mem>>)
    %dma_wait3A_212 = arith.constant 1024 : i32
    %dma_wait3A_213 = tpu.memref_slice %arg10[%dma_wait3A_212] : memref<3584xi32, #tpu.memory_space<vmem>> -> memref<512xi32, #tpu.memory_space<vmem>>
    %dma_wait3A_214 = tpu.memref_slice %arg4[%add3A_15] : memref<81920xi32, #tpu.memory_space<hbm>> -> memref<512xi32, #tpu.memory_space<hbm>>
    %dma_wait3A_215 = arith.constant 1024 : i32
    %dma_wait3A_216 = tpu.memref_slice %arg10[%dma_wait3A_215] : memref<3584xi32, #tpu.memory_space<vmem>> -> memref<512xi32, #tpu.memory_space<vmem>>
    %dma_wait3A_217 = tpu.memref_slice %arg4[%add3A_15] : memref<81920xi32, #tpu.memory_space<hbm>> -> memref<512xi32, #tpu.memory_space<hbm>>
    tpu.wait_dma2 semaphore(%arg12 : memref<!tpu.dma_semaphore, #tpu.memory_space<semaphore_mem>>) src(%dma_wait3A_217 : memref<512xi32, #tpu.memory_space<hbm>>) dst(%dma_wait3A_216 : memref<512xi32, #tpu.memory_space<vmem>>)
    %dma_wait3A_218 = arith.constant 1 : i32
    %dma_wait3A_219 = arith.constant 0 : i32
    %dma_wait3A_220 = arith.constant 0 : i32
    %dma_wait3A_221 = tpu.memref_slice %arg11[%dma_wait3A_218, %dma_wait3A_219, %dma_wait3A_220] : memref<3x256x128xf32, #tpu.memory_space<vmem>> -> memref<1x256x128xf32, #tpu.memory_space<vmem>>
    %dma_wait3A_222 = tpu.memref_squeeze %dma_wait3A_221 : memref<1x256x128xf32, #tpu.memory_space<vmem>> -> memref<256x128xf32, #tpu.memory_space<vmem>>
    %dma_wait3A_223 = arith.constant 0 : i32
    %dma_wait3A_224 = tpu.memref_slice %arg7[%add3A_57, %dma_wait3A_223] : memref<16384x128xf32, #tpu.memory_space<hbm>> -> memref<256x128xf32, #tpu.memory_space<hbm>>
    %dma_wait3A_225 = arith.constant 0 : i32
    %dma_wait3A_226 = tpu.memref_slice %arg7[%add3A_57, %dma_wait3A_225] : memref<16384x128xf32, #tpu.memory_space<hbm>> -> memref<256x128xf32, #tpu.memory_space<hbm>>
    %dma_wait3A_227 = arith.constant 0 : i32
    %dma_wait3A_228 = arith.constant 0 : i32
    %dma_wait3A_229 = tpu.memref_slice %arg11[%dma_wait3A_218, %dma_wait3A_227, %dma_wait3A_228] : memref<3x256x128xf32, #tpu.memory_space<vmem>> -> memref<1x256x128xf32, #tpu.memory_space<vmem>>
    %dma_wait3A_230 = tpu.memref_squeeze %dma_wait3A_229 : memref<1x256x128xf32, #tpu.memory_space<vmem>> -> memref<256x128xf32, #tpu.memory_space<vmem>>
    tpu.wait_dma2 semaphore(%arg17 : memref<!tpu.dma_semaphore, #tpu.memory_space<semaphore_mem>>) src(%dma_wait3A_230 : memref<256x128xf32, #tpu.memory_space<vmem>>) dst(%dma_wait3A_226 : memref<256x128xf32, #tpu.memory_space<hbm>>)
    %dma_start3A_231 = arith.constant 1 : i32
    %dma_start3A_232 = arith.constant 0 : i32
    %dma_start3A_233 = arith.constant 0 : i32
    %dma_start3A_234 = tpu.memref_slice %arg11[%dma_start3A_231, %dma_start3A_232, %dma_start3A_233] : memref<3x256x128xf32, #tpu.memory_space<vmem>> -> memref<1x256x128xf32, #tpu.memory_space<vmem>>
    %dma_start3A_235 = tpu.memref_squeeze %dma_start3A_234 : memref<1x256x128xf32, #tpu.memory_space<vmem>> -> memref<256x128xf32, #tpu.memory_space<vmem>>
    %dma_start3A_236 = arith.constant 1024 : i32
    %dma_start3A_237 = tpu.memref_slice %arg10[%dma_start3A_236] : memref<3584xi32, #tpu.memory_space<vmem>> -> memref<256xi32, #tpu.memory_space<vmem>>
    %dma_start3A_238 = arith.constant 0 : i32
    %dma_start3A_239 = arith.constant 0 : i32
    %dma_start3A_240 = tpu.memref_slice %arg6[%dma_start3A_238, %dma_start3A_239] : memref<100000x128xf32, #tpu.memory_space<hbm>> -> memref<100000x128xf32, #tpu.memory_space<hbm>>
    tpu.enqueue_indirect_dma source(%dma_start3A_240 : memref<100000x128xf32, #tpu.memory_space<hbm>>) target(%dma_start3A_235 : memref<256x128xf32, #tpu.memory_space<vmem>>) offsets(%dma_start3A_237 : memref<256xi32, #tpu.memory_space<vmem>>) semaphore(%arg14 : memref<!tpu.dma_semaphore, #tpu.memory_space<semaphore_mem>>)
    %dma_wait3A_241 = arith.constant 2 : i32
    %dma_wait3A_242 = arith.constant 0 : i32
    %dma_wait3A_243 = arith.constant 0 : i32
    %dma_wait3A_244 = tpu.memref_slice %arg11[%dma_wait3A_241, %dma_wait3A_242, %dma_wait3A_243] : memref<3x256x128xf32, #tpu.memory_space<vmem>> -> memref<1x256x128xf32, #tpu.memory_space<vmem>>
    %dma_wait3A_245 = tpu.memref_squeeze %dma_wait3A_244 : memref<1x256x128xf32, #tpu.memory_space<vmem>> -> memref<256x128xf32, #tpu.memory_space<vmem>>
    %dma_wait3A_246 = arith.constant 512 : i32
    %dma_wait3A_247 = tpu.memref_slice %arg10[%dma_wait3A_246] : memref<3584xi32, #tpu.memory_space<vmem>> -> memref<256xi32, #tpu.memory_space<vmem>>
    %dma_wait3A_248 = arith.constant 0 : i32
    %dma_wait3A_249 = arith.constant 0 : i32
    %dma_wait3A_250 = tpu.memref_slice %arg6[%dma_wait3A_248, %dma_wait3A_249] : memref<100000x128xf32, #tpu.memory_space<hbm>> -> memref<100000x128xf32, #tpu.memory_space<hbm>>
    tpu.wait_indirect_dma semaphore(%arg15 : memref<!tpu.dma_semaphore, #tpu.memory_space<semaphore_mem>>) src(%dma_wait3A_250 : memref<100000x128xf32, #tpu.memory_space<hbm>>) dst(%dma_wait3A_245 : memref<256x128xf32, #tpu.memory_space<vmem>>)
    %dma_start3A_251 = arith.constant 2 : i32
    %dma_start3A_252 = arith.constant 0 : i32
    %dma_start3A_253 = arith.constant 0 : i32
    %dma_start3A_254 = tpu.memref_slice %arg11[%dma_start3A_251, %dma_start3A_252, %dma_start3A_253] : memref<3x256x128xf32, #tpu.memory_space<vmem>> -> memref<1x256x128xf32, #tpu.memory_space<vmem>>
    %dma_start3A_255 = tpu.memref_squeeze %dma_start3A_254 : memref<1x256x128xf32, #tpu.memory_space<vmem>> -> memref<256x128xf32, #tpu.memory_space<vmem>>
    %dma_start3A_256 = arith.constant 0 : i32
    %dma_start3A_257 = tpu.memref_slice %arg8[%add3A_59, %dma_start3A_256] : memref<16384x128xf32, #tpu.memory_space<hbm>> -> memref<256x128xf32, #tpu.memory_space<hbm>>
    %dma_start3A_258 = arith.constant 0 : i32
    %dma_start3A_259 = tpu.memref_slice %arg8[%add3A_59, %dma_start3A_258] : memref<16384x128xf32, #tpu.memory_space<hbm>> -> memref<256x128xf32, #tpu.memory_space<hbm>>
    %dma_start3A_260 = arith.constant 0 : i32
    %dma_start3A_261 = arith.constant 0 : i32
    %dma_start3A_262 = tpu.memref_slice %arg11[%dma_start3A_251, %dma_start3A_260, %dma_start3A_261] : memref<3x256x128xf32, #tpu.memory_space<vmem>> -> memref<1x256x128xf32, #tpu.memory_space<vmem>>
    %dma_start3A_263 = tpu.memref_squeeze %dma_start3A_262 : memref<1x256x128xf32, #tpu.memory_space<vmem>> -> memref<256x128xf32, #tpu.memory_space<vmem>>
    tpu.enqueue_dma source(%dma_start3A_263 : memref<256x128xf32, #tpu.memory_space<vmem>>) target(%dma_start3A_259 : memref<256x128xf32, #tpu.memory_space<hbm>>) target_semaphore(%arg18 : memref<!tpu.dma_semaphore, #tpu.memory_space<semaphore_mem>>)
    %dma_wait3A_264 = arith.constant 2 : i32
    %dma_wait3A_265 = arith.constant 0 : i32
    %dma_wait3A_266 = arith.constant 0 : i32
    %dma_wait3A_267 = tpu.memref_slice %arg11[%dma_wait3A_264, %dma_wait3A_265, %dma_wait3A_266] : memref<3x256x128xf32, #tpu.memory_space<vmem>> -> memref<1x256x128xf32, #tpu.memory_space<vmem>>
    %dma_wait3A_268 = tpu.memref_squeeze %dma_wait3A_267 : memref<1x256x128xf32, #tpu.memory_space<vmem>> -> memref<256x128xf32, #tpu.memory_space<vmem>>
    %dma_wait3A_269 = arith.constant 0 : i32
    %dma_wait3A_270 = tpu.memref_slice %arg8[%add3A_59, %dma_wait3A_269] : memref<16384x128xf32, #tpu.memory_space<hbm>> -> memref<256x128xf32, #tpu.memory_space<hbm>>
    %dma_wait3A_271 = arith.constant 0 : i32
    %dma_wait3A_272 = tpu.memref_slice %arg8[%add3A_59, %dma_wait3A_271] : memref<16384x128xf32, #tpu.memory_space<hbm>> -> memref<256x128xf32, #tpu.memory_space<hbm>>
    %dma_wait3A_273 = arith.constant 0 : i32
    %dma_wait3A_274 = arith.constant 0 : i32
    %dma_wait3A_275 = tpu.memref_slice %arg11[%dma_wait3A_264, %dma_wait3A_273, %dma_wait3A_274] : memref<3x256x128xf32, #tpu.memory_space<vmem>> -> memref<1x256x128xf32, #tpu.memory_space<vmem>>
    %dma_wait3A_276 = tpu.memref_squeeze %dma_wait3A_275 : memref<1x256x128xf32, #tpu.memory_space<vmem>> -> memref<256x128xf32, #tpu.memory_space<vmem>>
    tpu.wait_dma2 semaphore(%arg18 : memref<!tpu.dma_semaphore, #tpu.memory_space<semaphore_mem>>) src(%dma_wait3A_276 : memref<256x128xf32, #tpu.memory_space<vmem>>) dst(%dma_wait3A_272 : memref<256x128xf32, #tpu.memory_space<hbm>>)
    %dma_start3A_277 = arith.constant 2 : i32
    %dma_start3A_278 = arith.constant 0 : i32
    %dma_start3A_279 = arith.constant 0 : i32
    %dma_start3A_280 = tpu.memref_slice %arg11[%dma_start3A_277, %dma_start3A_278, %dma_start3A_279] : memref<3x256x128xf32, #tpu.memory_space<vmem>> -> memref<1x256x128xf32, #tpu.memory_space<vmem>>
    %dma_start3A_281 = tpu.memref_squeeze %dma_start3A_280 : memref<1x256x128xf32, #tpu.memory_space<vmem>> -> memref<256x128xf32, #tpu.memory_space<vmem>>
    %dma_start3A_282 = arith.constant 1280 : i32
    %dma_start3A_283 = tpu.memref_slice %arg10[%dma_start3A_282] : memref<3584xi32, #tpu.memory_space<vmem>> -> memref<256xi32, #tpu.memory_space<vmem>>
    %dma_start3A_284 = arith.constant 0 : i32
    %dma_start3A_285 = arith.constant 0 : i32
    %dma_start3A_286 = tpu.memref_slice %arg6[%dma_start3A_284, %dma_start3A_285] : memref<100000x128xf32, #tpu.memory_space<hbm>> -> memref<100000x128xf32, #tpu.memory_space<hbm>>
    tpu.enqueue_indirect_dma source(%dma_start3A_286 : memref<100000x128xf32, #tpu.memory_space<hbm>>) target(%dma_start3A_281 : memref<256x128xf32, #tpu.memory_space<vmem>>) offsets(%dma_start3A_283 : memref<256xi32, #tpu.memory_space<vmem>>) semaphore(%arg15 : memref<!tpu.dma_semaphore, #tpu.memory_space<semaphore_mem>>)
    %dma_wait3A_287 = arith.constant 0 : i32
    %dma_wait3A_288 = arith.constant 0 : i32
    %dma_wait3A_289 = arith.constant 0 : i32
    %dma_wait3A_290 = tpu.memref_slice %arg11[%dma_wait3A_287, %dma_wait3A_288, %dma_wait3A_289] : memref<3x256x128xf32, #tpu.memory_space<vmem>> -> memref<1x256x128xf32, #tpu.memory_space<vmem>>
    %dma_wait3A_291 = tpu.memref_squeeze %dma_wait3A_290 : memref<1x256x128xf32, #tpu.memory_space<vmem>> -> memref<256x128xf32, #tpu.memory_space<vmem>>
    %dma_wait3A_292 = arith.constant 768 : i32
    %dma_wait3A_293 = tpu.memref_slice %arg10[%dma_wait3A_292] : memref<3584xi32, #tpu.memory_space<vmem>> -> memref<256xi32, #tpu.memory_space<vmem>>
    %dma_wait3A_294 = arith.constant 0 : i32
    %dma_wait3A_295 = arith.constant 0 : i32
    %dma_wait3A_296 = tpu.memref_slice %arg6[%dma_wait3A_294, %dma_wait3A_295] : memref<100000x128xf32, #tpu.memory_space<hbm>> -> memref<100000x128xf32, #tpu.memory_space<hbm>>
    tpu.wait_indirect_dma semaphore(%arg13 : memref<!tpu.dma_semaphore, #tpu.memory_space<semaphore_mem>>) src(%dma_wait3A_296 : memref<100000x128xf32, #tpu.memory_space<hbm>>) dst(%dma_wait3A_291 : memref<256x128xf32, #tpu.memory_space<vmem>>)
    %dma_start3A_297 = arith.constant 0 : i32
    %dma_start3A_298 = arith.constant 0 : i32
    %dma_start3A_299 = arith.constant 0 : i32
    %dma_start3A_300 = tpu.memref_slice %arg11[%dma_start3A_297, %dma_start3A_298, %dma_start3A_299] : memref<3x256x128xf32, #tpu.memory_space<vmem>> -> memref<1x256x128xf32, #tpu.memory_space<vmem>>
    %dma_start3A_301 = tpu.memref_squeeze %dma_start3A_300 : memref<1x256x128xf32, #tpu.memory_space<vmem>> -> memref<256x128xf32, #tpu.memory_space<vmem>>
    %dma_start3A_302 = arith.constant 0 : i32
    %dma_start3A_303 = tpu.memref_slice %arg8[%add3A_61, %dma_start3A_302] : memref<16384x128xf32, #tpu.memory_space<hbm>> -> memref<256x128xf32, #tpu.memory_space<hbm>>
    %dma_start3A_304 = arith.constant 0 : i32
    %dma_start3A_305 = tpu.memref_slice %arg8[%add3A_61, %dma_start3A_304] : memref<16384x128xf32, #tpu.memory_space<hbm>> -> memref<256x128xf32, #tpu.memory_space<hbm>>
    %dma_start3A_306 = arith.constant 0 : i32
    %dma_start3A_307 = arith.constant 0 : i32
    %dma_start3A_308 = tpu.memref_slice %arg11[%dma_start3A_297, %dma_start3A_306, %dma_start3A_307] : memref<3x256x128xf32, #tpu.memory_space<vmem>> -> memref<1x256x128xf32, #tpu.memory_space<vmem>>
    %dma_start3A_309 = tpu.memref_squeeze %dma_start3A_308 : memref<1x256x128xf32, #tpu.memory_space<vmem>> -> memref<256x128xf32, #tpu.memory_space<vmem>>
    tpu.enqueue_dma source(%dma_start3A_309 : memref<256x128xf32, #tpu.memory_space<vmem>>) target(%dma_start3A_305 : memref<256x128xf32, #tpu.memory_space<hbm>>) target_semaphore(%arg16 : memref<!tpu.dma_semaphore, #tpu.memory_space<semaphore_mem>>)
    %dma_wait3A_310 = arith.constant 1536 : i32
    %dma_wait3A_311 = tpu.memref_slice %arg10[%dma_wait3A_310] : memref<3584xi32, #tpu.memory_space<vmem>> -> memref<512xi32, #tpu.memory_space<vmem>>
    %dma_wait3A_312 = tpu.memref_slice %arg4[%add3A_23] : memref<81920xi32, #tpu.memory_space<hbm>> -> memref<512xi32, #tpu.memory_space<hbm>>
    %dma_wait3A_313 = arith.constant 1536 : i32
    %dma_wait3A_314 = tpu.memref_slice %arg10[%dma_wait3A_313] : memref<3584xi32, #tpu.memory_space<vmem>> -> memref<512xi32, #tpu.memory_space<vmem>>
    %dma_wait3A_315 = tpu.memref_slice %arg4[%add3A_23] : memref<81920xi32, #tpu.memory_space<hbm>> -> memref<512xi32, #tpu.memory_space<hbm>>
    tpu.wait_dma2 semaphore(%arg12 : memref<!tpu.dma_semaphore, #tpu.memory_space<semaphore_mem>>) src(%dma_wait3A_315 : memref<512xi32, #tpu.memory_space<hbm>>) dst(%dma_wait3A_314 : memref<512xi32, #tpu.memory_space<vmem>>)
    %dma_wait3A_316 = arith.constant 0 : i32
    %dma_wait3A_317 = arith.constant 0 : i32
    %dma_wait3A_318 = arith.constant 0 : i32
    %dma_wait3A_319 = tpu.memref_slice %arg11[%dma_wait3A_316, %dma_wait3A_317, %dma_wait3A_318] : memref<3x256x128xf32, #tpu.memory_space<vmem>> -> memref<1x256x128xf32, #tpu.memory_space<vmem>>
    %dma_wait3A_320 = tpu.memref_squeeze %dma_wait3A_319 : memref<1x256x128xf32, #tpu.memory_space<vmem>> -> memref<256x128xf32, #tpu.memory_space<vmem>>
    %dma_wait3A_321 = arith.constant 0 : i32
    %dma_wait3A_322 = tpu.memref_slice %arg8[%add3A_61, %dma_wait3A_321] : memref<16384x128xf32, #tpu.memory_space<hbm>> -> memref<256x128xf32, #tpu.memory_space<hbm>>
    %dma_wait3A_323 = arith.constant 0 : i32
    %dma_wait3A_324 = tpu.memref_slice %arg8[%add3A_61, %dma_wait3A_323] : memref<16384x128xf32, #tpu.memory_space<hbm>> -> memref<256x128xf32, #tpu.memory_space<hbm>>
    %dma_wait3A_325 = arith.constant 0 : i32
    %dma_wait3A_326 = arith.constant 0 : i32
    %dma_wait3A_327 = tpu.memref_slice %arg11[%dma_wait3A_316, %dma_wait3A_325, %dma_wait3A_326] : memref<3x256x128xf32, #tpu.memory_space<vmem>> -> memref<1x256x128xf32, #tpu.memory_space<vmem>>
    %dma_wait3A_328 = tpu.memref_squeeze %dma_wait3A_327 : memref<1x256x128xf32, #tpu.memory_space<vmem>> -> memref<256x128xf32, #tpu.memory_space<vmem>>
    tpu.wait_dma2 semaphore(%arg16 : memref<!tpu.dma_semaphore, #tpu.memory_space<semaphore_mem>>) src(%dma_wait3A_328 : memref<256x128xf32, #tpu.memory_space<vmem>>) dst(%dma_wait3A_324 : memref<256x128xf32, #tpu.memory_space<hbm>>)
    %dma_start3A_329 = arith.constant 0 : i32
    %dma_start3A_330 = arith.constant 0 : i32
    %dma_start3A_331 = arith.constant 0 : i32
    %dma_start3A_332 = tpu.memref_slice %arg11[%dma_start3A_329, %dma_start3A_330, %dma_start3A_331] : memref<3x256x128xf32, #tpu.memory_space<vmem>> -> memref<1x256x128xf32, #tpu.memory_space<vmem>>
    %dma_start3A_333 = tpu.memref_squeeze %dma_start3A_332 : memref<1x256x128xf32, #tpu.memory_space<vmem>> -> memref<256x128xf32, #tpu.memory_space<vmem>>
    %dma_start3A_334 = arith.constant 1536 : i32
    %dma_start3A_335 = tpu.memref_slice %arg10[%dma_start3A_334] : memref<3584xi32, #tpu.memory_space<vmem>> -> memref<256xi32, #tpu.memory_space<vmem>>
    %dma_start3A_336 = arith.constant 0 : i32
    %dma_start3A_337 = arith.constant 0 : i32
    %dma_start3A_338 = tpu.memref_slice %arg6[%dma_start3A_336, %dma_start3A_337] : memref<100000x128xf32, #tpu.memory_space<hbm>> -> memref<100000x128xf32, #tpu.memory_space<hbm>>
    tpu.enqueue_indirect_dma source(%dma_start3A_338 : memref<100000x128xf32, #tpu.memory_space<hbm>>) target(%dma_start3A_333 : memref<256x128xf32, #tpu.memory_space<vmem>>) offsets(%dma_start3A_335 : memref<256xi32, #tpu.memory_space<vmem>>) semaphore(%arg13 : memref<!tpu.dma_semaphore, #tpu.memory_space<semaphore_mem>>)
    %dma_wait3A_339 = arith.constant 1 : i32
    %dma_wait3A_340 = arith.constant 0 : i32
    %dma_wait3A_341 = arith.constant 0 : i32
    %dma_wait3A_342 = tpu.memref_slice %arg11[%dma_wait3A_339, %dma_wait3A_340, %dma_wait3A_341] : memref<3x256x128xf32, #tpu.memory_space<vmem>> -> memref<1x256x128xf32, #tpu.memory_space<vmem>>
    %dma_wait3A_343 = tpu.memref_squeeze %dma_wait3A_342 : memref<1x256x128xf32, #tpu.memory_space<vmem>> -> memref<256x128xf32, #tpu.memory_space<vmem>>
    %dma_wait3A_344 = arith.constant 1024 : i32
    %dma_wait3A_345 = tpu.memref_slice %arg10[%dma_wait3A_344] : memref<3584xi32, #tpu.memory_space<vmem>> -> memref<256xi32, #tpu.memory_space<vmem>>
    %dma_wait3A_346 = arith.constant 0 : i32
    %dma_wait3A_347 = arith.constant 0 : i32
    %dma_wait3A_348 = tpu.memref_slice %arg6[%dma_wait3A_346, %dma_wait3A_347] : memref<100000x128xf32, #tpu.memory_space<hbm>> -> memref<100000x128xf32, #tpu.memory_space<hbm>>
    tpu.wait_indirect_dma semaphore(%arg14 : memref<!tpu.dma_semaphore, #tpu.memory_space<semaphore_mem>>) src(%dma_wait3A_348 : memref<100000x128xf32, #tpu.memory_space<hbm>>) dst(%dma_wait3A_343 : memref<256x128xf32, #tpu.memory_space<vmem>>)
    %dma_start3A_349 = arith.constant 1 : i32
    %dma_start3A_350 = arith.constant 0 : i32
    %dma_start3A_351 = arith.constant 0 : i32
    %dma_start3A_352 = tpu.memref_slice %arg11[%dma_start3A_349, %dma_start3A_350, %dma_start3A_351] : memref<3x256x128xf32, #tpu.memory_space<vmem>> -> memref<1x256x128xf32, #tpu.memory_space<vmem>>
    %dma_start3A_353 = tpu.memref_squeeze %dma_start3A_352 : memref<1x256x128xf32, #tpu.memory_space<vmem>> -> memref<256x128xf32, #tpu.memory_space<vmem>>
    %dma_start3A_354 = arith.constant 0 : i32
    %dma_start3A_355 = tpu.memref_slice %arg9[%add3A_65, %dma_start3A_354] : memref<81920x128xf32, #tpu.memory_space<hbm>> -> memref<256x128xf32, #tpu.memory_space<hbm>>
    %dma_start3A_356 = arith.constant 0 : i32
    %dma_start3A_357 = tpu.memref_slice %arg9[%add3A_65, %dma_start3A_356] : memref<81920x128xf32, #tpu.memory_space<hbm>> -> memref<256x128xf32, #tpu.memory_space<hbm>>
    %dma_start3A_358 = arith.constant 0 : i32
    %dma_start3A_359 = arith.constant 0 : i32
    %dma_start3A_360 = tpu.memref_slice %arg11[%dma_start3A_349, %dma_start3A_358, %dma_start3A_359] : memref<3x256x128xf32, #tpu.memory_space<vmem>> -> memref<1x256x128xf32, #tpu.memory_space<vmem>>
    %dma_start3A_361 = tpu.memref_squeeze %dma_start3A_360 : memref<1x256x128xf32, #tpu.memory_space<vmem>> -> memref<256x128xf32, #tpu.memory_space<vmem>>
    tpu.enqueue_dma source(%dma_start3A_361 : memref<256x128xf32, #tpu.memory_space<vmem>>) target(%dma_start3A_357 : memref<256x128xf32, #tpu.memory_space<hbm>>) target_semaphore(%arg17 : memref<!tpu.dma_semaphore, #tpu.memory_space<semaphore_mem>>)
    %dma_wait3A_362 = arith.constant 1 : i32
    %dma_wait3A_363 = arith.constant 0 : i32
    %dma_wait3A_364 = arith.constant 0 : i32
    %dma_wait3A_365 = tpu.memref_slice %arg11[%dma_wait3A_362, %dma_wait3A_363, %dma_wait3A_364] : memref<3x256x128xf32, #tpu.memory_space<vmem>> -> memref<1x256x128xf32, #tpu.memory_space<vmem>>
    %dma_wait3A_366 = tpu.memref_squeeze %dma_wait3A_365 : memref<1x256x128xf32, #tpu.memory_space<vmem>> -> memref<256x128xf32, #tpu.memory_space<vmem>>
    %dma_wait3A_367 = arith.constant 0 : i32
    %dma_wait3A_368 = tpu.memref_slice %arg9[%add3A_65, %dma_wait3A_367] : memref<81920x128xf32, #tpu.memory_space<hbm>> -> memref<256x128xf32, #tpu.memory_space<hbm>>
    %dma_wait3A_369 = arith.constant 0 : i32
    %dma_wait3A_370 = tpu.memref_slice %arg9[%add3A_65, %dma_wait3A_369] : memref<81920x128xf32, #tpu.memory_space<hbm>> -> memref<256x128xf32, #tpu.memory_space<hbm>>
    %dma_wait3A_371 = arith.constant 0 : i32
    %dma_wait3A_372 = arith.constant 0 : i32
    %dma_wait3A_373 = tpu.memref_slice %arg11[%dma_wait3A_362, %dma_wait3A_371, %dma_wait3A_372] : memref<3x256x128xf32, #tpu.memory_space<vmem>> -> memref<1x256x128xf32, #tpu.memory_space<vmem>>
    %dma_wait3A_374 = tpu.memref_squeeze %dma_wait3A_373 : memref<1x256x128xf32, #tpu.memory_space<vmem>> -> memref<256x128xf32, #tpu.memory_space<vmem>>
    tpu.wait_dma2 semaphore(%arg17 : memref<!tpu.dma_semaphore, #tpu.memory_space<semaphore_mem>>) src(%dma_wait3A_374 : memref<256x128xf32, #tpu.memory_space<vmem>>) dst(%dma_wait3A_370 : memref<256x128xf32, #tpu.memory_space<hbm>>)
    %dma_start3A_375 = arith.constant 1 : i32
    %dma_start3A_376 = arith.constant 0 : i32
    %dma_start3A_377 = arith.constant 0 : i32
    %dma_start3A_378 = tpu.memref_slice %arg11[%dma_start3A_375, %dma_start3A_376, %dma_start3A_377] : memref<3x256x128xf32, #tpu.memory_space<vmem>> -> memref<1x256x128xf32, #tpu.memory_space<vmem>>
    %dma_start3A_379 = tpu.memref_squeeze %dma_start3A_378 : memref<1x256x128xf32, #tpu.memory_space<vmem>> -> memref<256x128xf32, #tpu.memory_space<vmem>>
    %dma_start3A_380 = arith.constant 1792 : i32
    %dma_start3A_381 = tpu.memref_slice %arg10[%dma_start3A_380] : memref<3584xi32, #tpu.memory_space<vmem>> -> memref<256xi32, #tpu.memory_space<vmem>>
    %dma_start3A_382 = arith.constant 0 : i32
    %dma_start3A_383 = arith.constant 0 : i32
    %dma_start3A_384 = tpu.memref_slice %arg6[%dma_start3A_382, %dma_start3A_383] : memref<100000x128xf32, #tpu.memory_space<hbm>> -> memref<100000x128xf32, #tpu.memory_space<hbm>>
    tpu.enqueue_indirect_dma source(%dma_start3A_384 : memref<100000x128xf32, #tpu.memory_space<hbm>>) target(%dma_start3A_379 : memref<256x128xf32, #tpu.memory_space<vmem>>) offsets(%dma_start3A_381 : memref<256xi32, #tpu.memory_space<vmem>>) semaphore(%arg14 : memref<!tpu.dma_semaphore, #tpu.memory_space<semaphore_mem>>)
    %dma_wait3A_385 = arith.constant 2 : i32
    %dma_wait3A_386 = arith.constant 0 : i32
    %dma_wait3A_387 = arith.constant 0 : i32
    %dma_wait3A_388 = tpu.memref_slice %arg11[%dma_wait3A_385, %dma_wait3A_386, %dma_wait3A_387] : memref<3x256x128xf32, #tpu.memory_space<vmem>> -> memref<1x256x128xf32, #tpu.memory_space<vmem>>
    %dma_wait3A_389 = tpu.memref_squeeze %dma_wait3A_388 : memref<1x256x128xf32, #tpu.memory_space<vmem>> -> memref<256x128xf32, #tpu.memory_space<vmem>>
    %dma_wait3A_390 = arith.constant 1280 : i32
    %dma_wait3A_391 = tpu.memref_slice %arg10[%dma_wait3A_390] : memref<3584xi32, #tpu.memory_space<vmem>> -> memref<256xi32, #tpu.memory_space<vmem>>
    %dma_wait3A_392 = arith.constant 0 : i32
    %dma_wait3A_393 = arith.constant 0 : i32
    %dma_wait3A_394 = tpu.memref_slice %arg6[%dma_wait3A_392, %dma_wait3A_393] : memref<100000x128xf32, #tpu.memory_space<hbm>> -> memref<100000x128xf32, #tpu.memory_space<hbm>>
    tpu.wait_indirect_dma semaphore(%arg15 : memref<!tpu.dma_semaphore, #tpu.memory_space<semaphore_mem>>) src(%dma_wait3A_394 : memref<100000x128xf32, #tpu.memory_space<hbm>>) dst(%dma_wait3A_389 : memref<256x128xf32, #tpu.memory_space<vmem>>)
    %dma_start3A_395 = arith.constant 2 : i32
    %dma_start3A_396 = arith.constant 0 : i32
    %dma_start3A_397 = arith.constant 0 : i32
    %dma_start3A_398 = tpu.memref_slice %arg11[%dma_start3A_395, %dma_start3A_396, %dma_start3A_397] : memref<3x256x128xf32, #tpu.memory_space<vmem>> -> memref<1x256x128xf32, #tpu.memory_space<vmem>>
    %dma_start3A_399 = tpu.memref_squeeze %dma_start3A_398 : memref<1x256x128xf32, #tpu.memory_space<vmem>> -> memref<256x128xf32, #tpu.memory_space<vmem>>
    %dma_start3A_400 = arith.constant 0 : i32
    %dma_start3A_401 = tpu.memref_slice %arg9[%add3A_69, %dma_start3A_400] : memref<81920x128xf32, #tpu.memory_space<hbm>> -> memref<256x128xf32, #tpu.memory_space<hbm>>
    %dma_start3A_402 = arith.constant 0 : i32
    %dma_start3A_403 = tpu.memref_slice %arg9[%add3A_69, %dma_start3A_402] : memref<81920x128xf32, #tpu.memory_space<hbm>> -> memref<256x128xf32, #tpu.memory_space<hbm>>
    %dma_start3A_404 = arith.constant 0 : i32
    %dma_start3A_405 = arith.constant 0 : i32
    %dma_start3A_406 = tpu.memref_slice %arg11[%dma_start3A_395, %dma_start3A_404, %dma_start3A_405] : memref<3x256x128xf32, #tpu.memory_space<vmem>> -> memref<1x256x128xf32, #tpu.memory_space<vmem>>
    %dma_start3A_407 = tpu.memref_squeeze %dma_start3A_406 : memref<1x256x128xf32, #tpu.memory_space<vmem>> -> memref<256x128xf32, #tpu.memory_space<vmem>>
    tpu.enqueue_dma source(%dma_start3A_407 : memref<256x128xf32, #tpu.memory_space<vmem>>) target(%dma_start3A_403 : memref<256x128xf32, #tpu.memory_space<hbm>>) target_semaphore(%arg18 : memref<!tpu.dma_semaphore, #tpu.memory_space<semaphore_mem>>)
    %dma_wait3A_408 = arith.constant 2048 : i32
    %dma_wait3A_409 = tpu.memref_slice %arg10[%dma_wait3A_408] : memref<3584xi32, #tpu.memory_space<vmem>> -> memref<512xi32, #tpu.memory_space<vmem>>
    %dma_wait3A_410 = tpu.memref_slice %arg4[%add3A_31] : memref<81920xi32, #tpu.memory_space<hbm>> -> memref<512xi32, #tpu.memory_space<hbm>>
    %dma_wait3A_411 = arith.constant 2048 : i32
    %dma_wait3A_412 = tpu.memref_slice %arg10[%dma_wait3A_411] : memref<3584xi32, #tpu.memory_space<vmem>> -> memref<512xi32, #tpu.memory_space<vmem>>
    %dma_wait3A_413 = tpu.memref_slice %arg4[%add3A_31] : memref<81920xi32, #tpu.memory_space<hbm>> -> memref<512xi32, #tpu.memory_space<hbm>>
    tpu.wait_dma2 semaphore(%arg12 : memref<!tpu.dma_semaphore, #tpu.memory_space<semaphore_mem>>) src(%dma_wait3A_413 : memref<512xi32, #tpu.memory_space<hbm>>) dst(%dma_wait3A_412 : memref<512xi32, #tpu.memory_space<vmem>>)
    %dma_wait3A_414 = arith.constant 2 : i32
    %dma_wait3A_415 = arith.constant 0 : i32
    %dma_wait3A_416 = arith.constant 0 : i32
    %dma_wait3A_417 = tpu.memref_slice %arg11[%dma_wait3A_414, %dma_wait3A_415, %dma_wait3A_416] : memref<3x256x128xf32, #tpu.memory_space<vmem>> -> memref<1x256x128xf32, #tpu.memory_space<vmem>>
    %dma_wait3A_418 = tpu.memref_squeeze %dma_wait3A_417 : memref<1x256x128xf32, #tpu.memory_space<vmem>> -> memref<256x128xf32, #tpu.memory_space<vmem>>
    %dma_wait3A_419 = arith.constant 0 : i32
    %dma_wait3A_420 = tpu.memref_slice %arg9[%add3A_69, %dma_wait3A_419] : memref<81920x128xf32, #tpu.memory_space<hbm>> -> memref<256x128xf32, #tpu.memory_space<hbm>>
    %dma_wait3A_421 = arith.constant 0 : i32
    %dma_wait3A_422 = tpu.memref_slice %arg9[%add3A_69, %dma_wait3A_421] : memref<81920x128xf32, #tpu.memory_space<hbm>> -> memref<256x128xf32, #tpu.memory_space<hbm>>
    %dma_wait3A_423 = arith.constant 0 : i32
    %dma_wait3A_424 = arith.constant 0 : i32
    %dma_wait3A_425 = tpu.memref_slice %arg11[%dma_wait3A_414, %dma_wait3A_423, %dma_wait3A_424] : memref<3x256x128xf32, #tpu.memory_space<vmem>> -> memref<1x256x128xf32, #tpu.memory_space<vmem>>
    %dma_wait3A_426 = tpu.memref_squeeze %dma_wait3A_425 : memref<1x256x128xf32, #tpu.memory_space<vmem>> -> memref<256x128xf32, #tpu.memory_space<vmem>>
    tpu.wait_dma2 semaphore(%arg18 : memref<!tpu.dma_semaphore, #tpu.memory_space<semaphore_mem>>) src(%dma_wait3A_426 : memref<256x128xf32, #tpu.memory_space<vmem>>) dst(%dma_wait3A_422 : memref<256x128xf32, #tpu.memory_space<hbm>>)
    %dma_start3A_427 = arith.constant 2 : i32
    %dma_start3A_428 = arith.constant 0 : i32
    %dma_start3A_429 = arith.constant 0 : i32
    %dma_start3A_430 = tpu.memref_slice %arg11[%dma_start3A_427, %dma_start3A_428, %dma_start3A_429] : memref<3x256x128xf32, #tpu.memory_space<vmem>> -> memref<1x256x128xf32, #tpu.memory_space<vmem>>
    %dma_start3A_431 = tpu.memref_squeeze %dma_start3A_430 : memref<1x256x128xf32, #tpu.memory_space<vmem>> -> memref<256x128xf32, #tpu.memory_space<vmem>>
    %dma_start3A_432 = arith.constant 2048 : i32
    %dma_start3A_433 = tpu.memref_slice %arg10[%dma_start3A_432] : memref<3584xi32, #tpu.memory_space<vmem>> -> memref<256xi32, #tpu.memory_space<vmem>>
    %dma_start3A_434 = arith.constant 0 : i32
    %dma_start3A_435 = arith.constant 0 : i32
    %dma_start3A_436 = tpu.memref_slice %arg6[%dma_start3A_434, %dma_start3A_435] : memref<100000x128xf32, #tpu.memory_space<hbm>> -> memref<100000x128xf32, #tpu.memory_space<hbm>>
    tpu.enqueue_indirect_dma source(%dma_start3A_436 : memref<100000x128xf32, #tpu.memory_space<hbm>>) target(%dma_start3A_431 : memref<256x128xf32, #tpu.memory_space<vmem>>) offsets(%dma_start3A_433 : memref<256xi32, #tpu.memory_space<vmem>>) semaphore(%arg15 : memref<!tpu.dma_semaphore, #tpu.memory_space<semaphore_mem>>)
    %dma_wait3A_437 = arith.constant 0 : i32
    %dma_wait3A_438 = arith.constant 0 : i32
    %dma_wait3A_439 = arith.constant 0 : i32
    %dma_wait3A_440 = tpu.memref_slice %arg11[%dma_wait3A_437, %dma_wait3A_438, %dma_wait3A_439] : memref<3x256x128xf32, #tpu.memory_space<vmem>> -> memref<1x256x128xf32, #tpu.memory_space<vmem>>
    %dma_wait3A_441 = tpu.memref_squeeze %dma_wait3A_440 : memref<1x256x128xf32, #tpu.memory_space<vmem>> -> memref<256x128xf32, #tpu.memory_space<vmem>>
    %dma_wait3A_442 = arith.constant 1536 : i32
    %dma_wait3A_443 = tpu.memref_slice %arg10[%dma_wait3A_442] : memref<3584xi32, #tpu.memory_space<vmem>> -> memref<256xi32, #tpu.memory_space<vmem>>
    %dma_wait3A_444 = arith.constant 0 : i32
    %dma_wait3A_445 = arith.constant 0 : i32
    %dma_wait3A_446 = tpu.memref_slice %arg6[%dma_wait3A_444, %dma_wait3A_445] : memref<100000x128xf32, #tpu.memory_space<hbm>> -> memref<100000x128xf32, #tpu.memory_space<hbm>>
    tpu.wait_indirect_dma semaphore(%arg13 : memref<!tpu.dma_semaphore, #tpu.memory_space<semaphore_mem>>) src(%dma_wait3A_446 : memref<100000x128xf32, #tpu.memory_space<hbm>>) dst(%dma_wait3A_441 : memref<256x128xf32, #tpu.memory_space<vmem>>)
    %dma_start3A_447 = arith.constant 0 : i32
    %dma_start3A_448 = arith.constant 0 : i32
    %dma_start3A_449 = arith.constant 0 : i32
    %dma_start3A_450 = tpu.memref_slice %arg11[%dma_start3A_447, %dma_start3A_448, %dma_start3A_449] : memref<3x256x128xf32, #tpu.memory_space<vmem>> -> memref<1x256x128xf32, #tpu.memory_space<vmem>>
    %dma_start3A_451 = tpu.memref_squeeze %dma_start3A_450 : memref<1x256x128xf32, #tpu.memory_space<vmem>> -> memref<256x128xf32, #tpu.memory_space<vmem>>
    %dma_start3A_452 = arith.constant 0 : i32
    %dma_start3A_453 = tpu.memref_slice %arg9[%add3A_73, %dma_start3A_452] : memref<81920x128xf32, #tpu.memory_space<hbm>> -> memref<256x128xf32, #tpu.memory_space<hbm>>
    %dma_start3A_454 = arith.constant 0 : i32
    %dma_start3A_455 = tpu.memref_slice %arg9[%add3A_73, %dma_start3A_454] : memref<81920x128xf32, #tpu.memory_space<hbm>> -> memref<256x128xf32, #tpu.memory_space<hbm>>
    %dma_start3A_456 = arith.constant 0 : i32
    %dma_start3A_457 = arith.constant 0 : i32
    %dma_start3A_458 = tpu.memref_slice %arg11[%dma_start3A_447, %dma_start3A_456, %dma_start3A_457] : memref<3x256x128xf32, #tpu.memory_space<vmem>> -> memref<1x256x128xf32, #tpu.memory_space<vmem>>
    %dma_start3A_459 = tpu.memref_squeeze %dma_start3A_458 : memref<1x256x128xf32, #tpu.memory_space<vmem>> -> memref<256x128xf32, #tpu.memory_space<vmem>>
    tpu.enqueue_dma source(%dma_start3A_459 : memref<256x128xf32, #tpu.memory_space<vmem>>) target(%dma_start3A_455 : memref<256x128xf32, #tpu.memory_space<hbm>>) target_semaphore(%arg16 : memref<!tpu.dma_semaphore, #tpu.memory_space<semaphore_mem>>)
    %dma_wait3A_460 = arith.constant 0 : i32
    %dma_wait3A_461 = arith.constant 0 : i32
    %dma_wait3A_462 = arith.constant 0 : i32
    %dma_wait3A_463 = tpu.memref_slice %arg11[%dma_wait3A_460, %dma_wait3A_461, %dma_wait3A_462] : memref<3x256x128xf32, #tpu.memory_space<vmem>> -> memref<1x256x128xf32, #tpu.memory_space<vmem>>
    %dma_wait3A_464 = tpu.memref_squeeze %dma_wait3A_463 : memref<1x256x128xf32, #tpu.memory_space<vmem>> -> memref<256x128xf32, #tpu.memory_space<vmem>>
    %dma_wait3A_465 = arith.constant 0 : i32
    %dma_wait3A_466 = tpu.memref_slice %arg9[%add3A_73, %dma_wait3A_465] : memref<81920x128xf32, #tpu.memory_space<hbm>> -> memref<256x128xf32, #tpu.memory_space<hbm>>
    %dma_wait3A_467 = arith.constant 0 : i32
    %dma_wait3A_468 = tpu.memref_slice %arg9[%add3A_73, %dma_wait3A_467] : memref<81920x128xf32, #tpu.memory_space<hbm>> -> memref<256x128xf32, #tpu.memory_space<hbm>>
    %dma_wait3A_469 = arith.constant 0 : i32
    %dma_wait3A_470 = arith.constant 0 : i32
    %dma_wait3A_471 = tpu.memref_slice %arg11[%dma_wait3A_460, %dma_wait3A_469, %dma_wait3A_470] : memref<3x256x128xf32, #tpu.memory_space<vmem>> -> memref<1x256x128xf32, #tpu.memory_space<vmem>>
    %dma_wait3A_472 = tpu.memref_squeeze %dma_wait3A_471 : memref<1x256x128xf32, #tpu.memory_space<vmem>> -> memref<256x128xf32, #tpu.memory_space<vmem>>
    tpu.wait_dma2 semaphore(%arg16 : memref<!tpu.dma_semaphore, #tpu.memory_space<semaphore_mem>>) src(%dma_wait3A_472 : memref<256x128xf32, #tpu.memory_space<vmem>>) dst(%dma_wait3A_468 : memref<256x128xf32, #tpu.memory_space<hbm>>)
    %dma_start3A_473 = arith.constant 0 : i32
    %dma_start3A_474 = arith.constant 0 : i32
    %dma_start3A_475 = arith.constant 0 : i32
    %dma_start3A_476 = tpu.memref_slice %arg11[%dma_start3A_473, %dma_start3A_474, %dma_start3A_475] : memref<3x256x128xf32, #tpu.memory_space<vmem>> -> memref<1x256x128xf32, #tpu.memory_space<vmem>>
    %dma_start3A_477 = tpu.memref_squeeze %dma_start3A_476 : memref<1x256x128xf32, #tpu.memory_space<vmem>> -> memref<256x128xf32, #tpu.memory_space<vmem>>
    %dma_start3A_478 = arith.constant 2304 : i32
    %dma_start3A_479 = tpu.memref_slice %arg10[%dma_start3A_478] : memref<3584xi32, #tpu.memory_space<vmem>> -> memref<256xi32, #tpu.memory_space<vmem>>
    %dma_start3A_480 = arith.constant 0 : i32
    %dma_start3A_481 = arith.constant 0 : i32
    %dma_start3A_482 = tpu.memref_slice %arg6[%dma_start3A_480, %dma_start3A_481] : memref<100000x128xf32, #tpu.memory_space<hbm>> -> memref<100000x128xf32, #tpu.memory_space<hbm>>
    tpu.enqueue_indirect_dma source(%dma_start3A_482 : memref<100000x128xf32, #tpu.memory_space<hbm>>) target(%dma_start3A_477 : memref<256x128xf32, #tpu.memory_space<vmem>>) offsets(%dma_start3A_479 : memref<256xi32, #tpu.memory_space<vmem>>) semaphore(%arg13 : memref<!tpu.dma_semaphore, #tpu.memory_space<semaphore_mem>>)
    %dma_wait3A_483 = arith.constant 1 : i32
    %dma_wait3A_484 = arith.constant 0 : i32
    %dma_wait3A_485 = arith.constant 0 : i32
    %dma_wait3A_486 = tpu.memref_slice %arg11[%dma_wait3A_483, %dma_wait3A_484, %dma_wait3A_485] : memref<3x256x128xf32, #tpu.memory_space<vmem>> -> memref<1x256x128xf32, #tpu.memory_space<vmem>>
    %dma_wait3A_487 = tpu.memref_squeeze %dma_wait3A_486 : memref<1x256x128xf32, #tpu.memory_space<vmem>> -> memref<256x128xf32, #tpu.memory_space<vmem>>
    %dma_wait3A_488 = arith.constant 1792 : i32
    %dma_wait3A_489 = tpu.memref_slice %arg10[%dma_wait3A_488] : memref<3584xi32, #tpu.memory_space<vmem>> -> memref<256xi32, #tpu.memory_space<vmem>>
    %dma_wait3A_490 = arith.constant 0 : i32
    %dma_wait3A_491 = arith.constant 0 : i32
    %dma_wait3A_492 = tpu.memref_slice %arg6[%dma_wait3A_490, %dma_wait3A_491] : memref<100000x128xf32, #tpu.memory_space<hbm>> -> memref<100000x128xf32, #tpu.memory_space<hbm>>
    tpu.wait_indirect_dma semaphore(%arg14 : memref<!tpu.dma_semaphore, #tpu.memory_space<semaphore_mem>>) src(%dma_wait3A_492 : memref<100000x128xf32, #tpu.memory_space<hbm>>) dst(%dma_wait3A_487 : memref<256x128xf32, #tpu.memory_space<vmem>>)
    %dma_start3A_493 = arith.constant 1 : i32
    %dma_start3A_494 = arith.constant 0 : i32
    %dma_start3A_495 = arith.constant 0 : i32
    %dma_start3A_496 = tpu.memref_slice %arg11[%dma_start3A_493, %dma_start3A_494, %dma_start3A_495] : memref<3x256x128xf32, #tpu.memory_space<vmem>> -> memref<1x256x128xf32, #tpu.memory_space<vmem>>
    %dma_start3A_497 = tpu.memref_squeeze %dma_start3A_496 : memref<1x256x128xf32, #tpu.memory_space<vmem>> -> memref<256x128xf32, #tpu.memory_space<vmem>>
    %dma_start3A_498 = arith.constant 0 : i32
    %dma_start3A_499 = tpu.memref_slice %arg9[%add3A_77, %dma_start3A_498] : memref<81920x128xf32, #tpu.memory_space<hbm>> -> memref<256x128xf32, #tpu.memory_space<hbm>>
    %dma_start3A_500 = arith.constant 0 : i32
    %dma_start3A_501 = tpu.memref_slice %arg9[%add3A_77, %dma_start3A_500] : memref<81920x128xf32, #tpu.memory_space<hbm>> -> memref<256x128xf32, #tpu.memory_space<hbm>>
    %dma_start3A_502 = arith.constant 0 : i32
    %dma_start3A_503 = arith.constant 0 : i32
    %dma_start3A_504 = tpu.memref_slice %arg11[%dma_start3A_493, %dma_start3A_502, %dma_start3A_503] : memref<3x256x128xf32, #tpu.memory_space<vmem>> -> memref<1x256x128xf32, #tpu.memory_space<vmem>>
    %dma_start3A_505 = tpu.memref_squeeze %dma_start3A_504 : memref<1x256x128xf32, #tpu.memory_space<vmem>> -> memref<256x128xf32, #tpu.memory_space<vmem>>
    tpu.enqueue_dma source(%dma_start3A_505 : memref<256x128xf32, #tpu.memory_space<vmem>>) target(%dma_start3A_501 : memref<256x128xf32, #tpu.memory_space<hbm>>) target_semaphore(%arg17 : memref<!tpu.dma_semaphore, #tpu.memory_space<semaphore_mem>>)
    %dma_wait3A_506 = arith.constant 2560 : i32
    %dma_wait3A_507 = tpu.memref_slice %arg10[%dma_wait3A_506] : memref<3584xi32, #tpu.memory_space<vmem>> -> memref<512xi32, #tpu.memory_space<vmem>>
    %dma_wait3A_508 = tpu.memref_slice %arg4[%add3A_39] : memref<81920xi32, #tpu.memory_space<hbm>> -> memref<512xi32, #tpu.memory_space<hbm>>
    %dma_wait3A_509 = arith.constant 2560 : i32
    %dma_wait3A_510 = tpu.memref_slice %arg10[%dma_wait3A_509] : memref<3584xi32, #tpu.memory_space<vmem>> -> memref<512xi32, #tpu.memory_space<vmem>>
    %dma_wait3A_511 = tpu.memref_slice %arg4[%add3A_39] : memref<81920xi32, #tpu.memory_space<hbm>> -> memref<512xi32, #tpu.memory_space<hbm>>
    tpu.wait_dma2 semaphore(%arg12 : memref<!tpu.dma_semaphore, #tpu.memory_space<semaphore_mem>>) src(%dma_wait3A_511 : memref<512xi32, #tpu.memory_space<hbm>>) dst(%dma_wait3A_510 : memref<512xi32, #tpu.memory_space<vmem>>)
    %dma_wait3A_512 = arith.constant 1 : i32
    %dma_wait3A_513 = arith.constant 0 : i32
    %dma_wait3A_514 = arith.constant 0 : i32
    %dma_wait3A_515 = tpu.memref_slice %arg11[%dma_wait3A_512, %dma_wait3A_513, %dma_wait3A_514] : memref<3x256x128xf32, #tpu.memory_space<vmem>> -> memref<1x256x128xf32, #tpu.memory_space<vmem>>
    %dma_wait3A_516 = tpu.memref_squeeze %dma_wait3A_515 : memref<1x256x128xf32, #tpu.memory_space<vmem>> -> memref<256x128xf32, #tpu.memory_space<vmem>>
    %dma_wait3A_517 = arith.constant 0 : i32
    %dma_wait3A_518 = tpu.memref_slice %arg9[%add3A_77, %dma_wait3A_517] : memref<81920x128xf32, #tpu.memory_space<hbm>> -> memref<256x128xf32, #tpu.memory_space<hbm>>
    %dma_wait3A_519 = arith.constant 0 : i32
    %dma_wait3A_520 = tpu.memref_slice %arg9[%add3A_77, %dma_wait3A_519] : memref<81920x128xf32, #tpu.memory_space<hbm>> -> memref<256x128xf32, #tpu.memory_space<hbm>>
    %dma_wait3A_521 = arith.constant 0 : i32
    %dma_wait3A_522 = arith.constant 0 : i32
    %dma_wait3A_523 = tpu.memref_slice %arg11[%dma_wait3A_512, %dma_wait3A_521, %dma_wait3A_522] : memref<3x256x128xf32, #tpu.memory_space<vmem>> -> memref<1x256x128xf32, #tpu.memory_space<vmem>>
    %dma_wait3A_524 = tpu.memref_squeeze %dma_wait3A_523 : memref<1x256x128xf32, #tpu.memory_space<vmem>> -> memref<256x128xf32, #tpu.memory_space<vmem>>
    tpu.wait_dma2 semaphore(%arg17 : memref<!tpu.dma_semaphore, #tpu.memory_space<semaphore_mem>>) src(%dma_wait3A_524 : memref<256x128xf32, #tpu.memory_space<vmem>>) dst(%dma_wait3A_520 : memref<256x128xf32, #tpu.memory_space<hbm>>)
    %dma_start3A_525 = arith.constant 1 : i32
    %dma_start3A_526 = arith.constant 0 : i32
    %dma_start3A_527 = arith.constant 0 : i32
    %dma_start3A_528 = tpu.memref_slice %arg11[%dma_start3A_525, %dma_start3A_526, %dma_start3A_527] : memref<3x256x128xf32, #tpu.memory_space<vmem>> -> memref<1x256x128xf32, #tpu.memory_space<vmem>>
    %dma_start3A_529 = tpu.memref_squeeze %dma_start3A_528 : memref<1x256x128xf32, #tpu.memory_space<vmem>> -> memref<256x128xf32, #tpu.memory_space<vmem>>
    %dma_start3A_530 = arith.constant 2560 : i32
    %dma_start3A_531 = tpu.memref_slice %arg10[%dma_start3A_530] : memref<3584xi32, #tpu.memory_space<vmem>> -> memref<256xi32, #tpu.memory_space<vmem>>
    %dma_start3A_532 = arith.constant 0 : i32
    %dma_start3A_533 = arith.constant 0 : i32
    %dma_start3A_534 = tpu.memref_slice %arg6[%dma_start3A_532, %dma_start3A_533] : memref<100000x128xf32, #tpu.memory_space<hbm>> -> memref<100000x128xf32, #tpu.memory_space<hbm>>
    tpu.enqueue_indirect_dma source(%dma_start3A_534 : memref<100000x128xf32, #tpu.memory_space<hbm>>) target(%dma_start3A_529 : memref<256x128xf32, #tpu.memory_space<vmem>>) offsets(%dma_start3A_531 : memref<256xi32, #tpu.memory_space<vmem>>) semaphore(%arg14 : memref<!tpu.dma_semaphore, #tpu.memory_space<semaphore_mem>>)
    %dma_wait3A_535 = arith.constant 2 : i32
    %dma_wait3A_536 = arith.constant 0 : i32
    %dma_wait3A_537 = arith.constant 0 : i32
    %dma_wait3A_538 = tpu.memref_slice %arg11[%dma_wait3A_535, %dma_wait3A_536, %dma_wait3A_537] : memref<3x256x128xf32, #tpu.memory_space<vmem>> -> memref<1x256x128xf32, #tpu.memory_space<vmem>>
    %dma_wait3A_539 = tpu.memref_squeeze %dma_wait3A_538 : memref<1x256x128xf32, #tpu.memory_space<vmem>> -> memref<256x128xf32, #tpu.memory_space<vmem>>
    %dma_wait3A_540 = arith.constant 2048 : i32
    %dma_wait3A_541 = tpu.memref_slice %arg10[%dma_wait3A_540] : memref<3584xi32, #tpu.memory_space<vmem>> -> memref<256xi32, #tpu.memory_space<vmem>>
    %dma_wait3A_542 = arith.constant 0 : i32
    %dma_wait3A_543 = arith.constant 0 : i32
    %dma_wait3A_544 = tpu.memref_slice %arg6[%dma_wait3A_542, %dma_wait3A_543] : memref<100000x128xf32, #tpu.memory_space<hbm>> -> memref<100000x128xf32, #tpu.memory_space<hbm>>
    tpu.wait_indirect_dma semaphore(%arg15 : memref<!tpu.dma_semaphore, #tpu.memory_space<semaphore_mem>>) src(%dma_wait3A_544 : memref<100000x128xf32, #tpu.memory_space<hbm>>) dst(%dma_wait3A_539 : memref<256x128xf32, #tpu.memory_space<vmem>>)
    %dma_start3A_545 = arith.constant 2 : i32
    %dma_start3A_546 = arith.constant 0 : i32
    %dma_start3A_547 = arith.constant 0 : i32
    %dma_start3A_548 = tpu.memref_slice %arg11[%dma_start3A_545, %dma_start3A_546, %dma_start3A_547] : memref<3x256x128xf32, #tpu.memory_space<vmem>> -> memref<1x256x128xf32, #tpu.memory_space<vmem>>
    %dma_start3A_549 = tpu.memref_squeeze %dma_start3A_548 : memref<1x256x128xf32, #tpu.memory_space<vmem>> -> memref<256x128xf32, #tpu.memory_space<vmem>>
    %dma_start3A_550 = arith.constant 0 : i32
    %dma_start3A_551 = tpu.memref_slice %arg9[%add3A_81, %dma_start3A_550] : memref<81920x128xf32, #tpu.memory_space<hbm>> -> memref<256x128xf32, #tpu.memory_space<hbm>>
    %dma_start3A_552 = arith.constant 0 : i32
    %dma_start3A_553 = tpu.memref_slice %arg9[%add3A_81, %dma_start3A_552] : memref<81920x128xf32, #tpu.memory_space<hbm>> -> memref<256x128xf32, #tpu.memory_space<hbm>>
    %dma_start3A_554 = arith.constant 0 : i32
    %dma_start3A_555 = arith.constant 0 : i32
    %dma_start3A_556 = tpu.memref_slice %arg11[%dma_start3A_545, %dma_start3A_554, %dma_start3A_555] : memref<3x256x128xf32, #tpu.memory_space<vmem>> -> memref<1x256x128xf32, #tpu.memory_space<vmem>>
    %dma_start3A_557 = tpu.memref_squeeze %dma_start3A_556 : memref<1x256x128xf32, #tpu.memory_space<vmem>> -> memref<256x128xf32, #tpu.memory_space<vmem>>
    tpu.enqueue_dma source(%dma_start3A_557 : memref<256x128xf32, #tpu.memory_space<vmem>>) target(%dma_start3A_553 : memref<256x128xf32, #tpu.memory_space<hbm>>) target_semaphore(%arg18 : memref<!tpu.dma_semaphore, #tpu.memory_space<semaphore_mem>>)
    %dma_wait3A_558 = arith.constant 2 : i32
    %dma_wait3A_559 = arith.constant 0 : i32
    %dma_wait3A_560 = arith.constant 0 : i32
    %dma_wait3A_561 = tpu.memref_slice %arg11[%dma_wait3A_558, %dma_wait3A_559, %dma_wait3A_560] : memref<3x256x128xf32, #tpu.memory_space<vmem>> -> memref<1x256x128xf32, #tpu.memory_space<vmem>>
    %dma_wait3A_562 = tpu.memref_squeeze %dma_wait3A_561 : memref<1x256x128xf32, #tpu.memory_space<vmem>> -> memref<256x128xf32, #tpu.memory_space<vmem>>
    %dma_wait3A_563 = arith.constant 0 : i32
    %dma_wait3A_564 = tpu.memref_slice %arg9[%add3A_81, %dma_wait3A_563] : memref<81920x128xf32, #tpu.memory_space<hbm>> -> memref<256x128xf32, #tpu.memory_space<hbm>>
    %dma_wait3A_565 = arith.constant 0 : i32
    %dma_wait3A_566 = tpu.memref_slice %arg9[%add3A_81, %dma_wait3A_565] : memref<81920x128xf32, #tpu.memory_space<hbm>> -> memref<256x128xf32, #tpu.memory_space<hbm>>
    %dma_wait3A_567 = arith.constant 0 : i32
    %dma_wait3A_568 = arith.constant 0 : i32
    %dma_wait3A_569 = tpu.memref_slice %arg11[%dma_wait3A_558, %dma_wait3A_567, %dma_wait3A_568] : memref<3x256x128xf32, #tpu.memory_space<vmem>> -> memref<1x256x128xf32, #tpu.memory_space<vmem>>
    %dma_wait3A_570 = tpu.memref_squeeze %dma_wait3A_569 : memref<1x256x128xf32, #tpu.memory_space<vmem>> -> memref<256x128xf32, #tpu.memory_space<vmem>>
    tpu.wait_dma2 semaphore(%arg18 : memref<!tpu.dma_semaphore, #tpu.memory_space<semaphore_mem>>) src(%dma_wait3A_570 : memref<256x128xf32, #tpu.memory_space<vmem>>) dst(%dma_wait3A_566 : memref<256x128xf32, #tpu.memory_space<hbm>>)
    %dma_start3A_571 = arith.constant 2 : i32
    %dma_start3A_572 = arith.constant 0 : i32
    %dma_start3A_573 = arith.constant 0 : i32
    %dma_start3A_574 = tpu.memref_slice %arg11[%dma_start3A_571, %dma_start3A_572, %dma_start3A_573] : memref<3x256x128xf32, #tpu.memory_space<vmem>> -> memref<1x256x128xf32, #tpu.memory_space<vmem>>
    %dma_start3A_575 = tpu.memref_squeeze %dma_start3A_574 : memref<1x256x128xf32, #tpu.memory_space<vmem>> -> memref<256x128xf32, #tpu.memory_space<vmem>>
    %dma_start3A_576 = arith.constant 2816 : i32
    %dma_start3A_577 = tpu.memref_slice %arg10[%dma_start3A_576] : memref<3584xi32, #tpu.memory_space<vmem>> -> memref<256xi32, #tpu.memory_space<vmem>>
    %dma_start3A_578 = arith.constant 0 : i32
    %dma_start3A_579 = arith.constant 0 : i32
    %dma_start3A_580 = tpu.memref_slice %arg6[%dma_start3A_578, %dma_start3A_579] : memref<100000x128xf32, #tpu.memory_space<hbm>> -> memref<100000x128xf32, #tpu.memory_space<hbm>>
    tpu.enqueue_indirect_dma source(%dma_start3A_580 : memref<100000x128xf32, #tpu.memory_space<hbm>>) target(%dma_start3A_575 : memref<256x128xf32, #tpu.memory_space<vmem>>) offsets(%dma_start3A_577 : memref<256xi32, #tpu.memory_space<vmem>>) semaphore(%arg15 : memref<!tpu.dma_semaphore, #tpu.memory_space<semaphore_mem>>)
    %dma_wait3A_581 = arith.constant 0 : i32
    %dma_wait3A_582 = arith.constant 0 : i32
    %dma_wait3A_583 = arith.constant 0 : i32
    %dma_wait3A_584 = tpu.memref_slice %arg11[%dma_wait3A_581, %dma_wait3A_582, %dma_wait3A_583] : memref<3x256x128xf32, #tpu.memory_space<vmem>> -> memref<1x256x128xf32, #tpu.memory_space<vmem>>
    %dma_wait3A_585 = tpu.memref_squeeze %dma_wait3A_584 : memref<1x256x128xf32, #tpu.memory_space<vmem>> -> memref<256x128xf32, #tpu.memory_space<vmem>>
    %dma_wait3A_586 = arith.constant 2304 : i32
    %dma_wait3A_587 = tpu.memref_slice %arg10[%dma_wait3A_586] : memref<3584xi32, #tpu.memory_space<vmem>> -> memref<256xi32, #tpu.memory_space<vmem>>
    %dma_wait3A_588 = arith.constant 0 : i32
    %dma_wait3A_589 = arith.constant 0 : i32
    %dma_wait3A_590 = tpu.memref_slice %arg6[%dma_wait3A_588, %dma_wait3A_589] : memref<100000x128xf32, #tpu.memory_space<hbm>> -> memref<100000x128xf32, #tpu.memory_space<hbm>>
    tpu.wait_indirect_dma semaphore(%arg13 : memref<!tpu.dma_semaphore, #tpu.memory_space<semaphore_mem>>) src(%dma_wait3A_590 : memref<100000x128xf32, #tpu.memory_space<hbm>>) dst(%dma_wait3A_585 : memref<256x128xf32, #tpu.memory_space<vmem>>)
    %dma_start3A_591 = arith.constant 0 : i32
    %dma_start3A_592 = arith.constant 0 : i32
    %dma_start3A_593 = arith.constant 0 : i32
    %dma_start3A_594 = tpu.memref_slice %arg11[%dma_start3A_591, %dma_start3A_592, %dma_start3A_593] : memref<3x256x128xf32, #tpu.memory_space<vmem>> -> memref<1x256x128xf32, #tpu.memory_space<vmem>>
    %dma_start3A_595 = tpu.memref_squeeze %dma_start3A_594 : memref<1x256x128xf32, #tpu.memory_space<vmem>> -> memref<256x128xf32, #tpu.memory_space<vmem>>
    %dma_start3A_596 = arith.constant 0 : i32
    %dma_start3A_597 = tpu.memref_slice %arg9[%add3A_85, %dma_start3A_596] : memref<81920x128xf32, #tpu.memory_space<hbm>> -> memref<256x128xf32, #tpu.memory_space<hbm>>
    %dma_start3A_598 = arith.constant 0 : i32
    %dma_start3A_599 = tpu.memref_slice %arg9[%add3A_85, %dma_start3A_598] : memref<81920x128xf32, #tpu.memory_space<hbm>> -> memref<256x128xf32, #tpu.memory_space<hbm>>
    %dma_start3A_600 = arith.constant 0 : i32
    %dma_start3A_601 = arith.constant 0 : i32
    %dma_start3A_602 = tpu.memref_slice %arg11[%dma_start3A_591, %dma_start3A_600, %dma_start3A_601] : memref<3x256x128xf32, #tpu.memory_space<vmem>> -> memref<1x256x128xf32, #tpu.memory_space<vmem>>
    %dma_start3A_603 = tpu.memref_squeeze %dma_start3A_602 : memref<1x256x128xf32, #tpu.memory_space<vmem>> -> memref<256x128xf32, #tpu.memory_space<vmem>>
    tpu.enqueue_dma source(%dma_start3A_603 : memref<256x128xf32, #tpu.memory_space<vmem>>) target(%dma_start3A_599 : memref<256x128xf32, #tpu.memory_space<hbm>>) target_semaphore(%arg16 : memref<!tpu.dma_semaphore, #tpu.memory_space<semaphore_mem>>)
    %dma_wait3A_604 = arith.constant 3072 : i32
    %dma_wait3A_605 = tpu.memref_slice %arg10[%dma_wait3A_604] : memref<3584xi32, #tpu.memory_space<vmem>> -> memref<512xi32, #tpu.memory_space<vmem>>
    %dma_wait3A_606 = tpu.memref_slice %arg4[%add3A_47] : memref<81920xi32, #tpu.memory_space<hbm>> -> memref<512xi32, #tpu.memory_space<hbm>>
    %dma_wait3A_607 = arith.constant 3072 : i32
    %dma_wait3A_608 = tpu.memref_slice %arg10[%dma_wait3A_607] : memref<3584xi32, #tpu.memory_space<vmem>> -> memref<512xi32, #tpu.memory_space<vmem>>
    %dma_wait3A_609 = tpu.memref_slice %arg4[%add3A_47] : memref<81920xi32, #tpu.memory_space<hbm>> -> memref<512xi32, #tpu.memory_space<hbm>>
    tpu.wait_dma2 semaphore(%arg12 : memref<!tpu.dma_semaphore, #tpu.memory_space<semaphore_mem>>) src(%dma_wait3A_609 : memref<512xi32, #tpu.memory_space<hbm>>) dst(%dma_wait3A_608 : memref<512xi32, #tpu.memory_space<vmem>>)
    %dma_wait3A_610 = arith.constant 0 : i32
    %dma_wait3A_611 = arith.constant 0 : i32
    %dma_wait3A_612 = arith.constant 0 : i32
    %dma_wait3A_613 = tpu.memref_slice %arg11[%dma_wait3A_610, %dma_wait3A_611, %dma_wait3A_612] : memref<3x256x128xf32, #tpu.memory_space<vmem>> -> memref<1x256x128xf32, #tpu.memory_space<vmem>>
    %dma_wait3A_614 = tpu.memref_squeeze %dma_wait3A_613 : memref<1x256x128xf32, #tpu.memory_space<vmem>> -> memref<256x128xf32, #tpu.memory_space<vmem>>
    %dma_wait3A_615 = arith.constant 0 : i32
    %dma_wait3A_616 = tpu.memref_slice %arg9[%add3A_85, %dma_wait3A_615] : memref<81920x128xf32, #tpu.memory_space<hbm>> -> memref<256x128xf32, #tpu.memory_space<hbm>>
    %dma_wait3A_617 = arith.constant 0 : i32
    %dma_wait3A_618 = tpu.memref_slice %arg9[%add3A_85, %dma_wait3A_617] : memref<81920x128xf32, #tpu.memory_space<hbm>> -> memref<256x128xf32, #tpu.memory_space<hbm>>
    %dma_wait3A_619 = arith.constant 0 : i32
    %dma_wait3A_620 = arith.constant 0 : i32
    %dma_wait3A_621 = tpu.memref_slice %arg11[%dma_wait3A_610, %dma_wait3A_619, %dma_wait3A_620] : memref<3x256x128xf32, #tpu.memory_space<vmem>> -> memref<1x256x128xf32, #tpu.memory_space<vmem>>
    %dma_wait3A_622 = tpu.memref_squeeze %dma_wait3A_621 : memref<1x256x128xf32, #tpu.memory_space<vmem>> -> memref<256x128xf32, #tpu.memory_space<vmem>>
    tpu.wait_dma2 semaphore(%arg16 : memref<!tpu.dma_semaphore, #tpu.memory_space<semaphore_mem>>) src(%dma_wait3A_622 : memref<256x128xf32, #tpu.memory_space<vmem>>) dst(%dma_wait3A_618 : memref<256x128xf32, #tpu.memory_space<hbm>>)
    %dma_start3A_623 = arith.constant 0 : i32
    %dma_start3A_624 = arith.constant 0 : i32
    %dma_start3A_625 = arith.constant 0 : i32
    %dma_start3A_626 = tpu.memref_slice %arg11[%dma_start3A_623, %dma_start3A_624, %dma_start3A_625] : memref<3x256x128xf32, #tpu.memory_space<vmem>> -> memref<1x256x128xf32, #tpu.memory_space<vmem>>
    %dma_start3A_627 = tpu.memref_squeeze %dma_start3A_626 : memref<1x256x128xf32, #tpu.memory_space<vmem>> -> memref<256x128xf32, #tpu.memory_space<vmem>>
    %dma_start3A_628 = arith.constant 3072 : i32
    %dma_start3A_629 = tpu.memref_slice %arg10[%dma_start3A_628] : memref<3584xi32, #tpu.memory_space<vmem>> -> memref<256xi32, #tpu.memory_space<vmem>>
    %dma_start3A_630 = arith.constant 0 : i32
    %dma_start3A_631 = arith.constant 0 : i32
    %dma_start3A_632 = tpu.memref_slice %arg6[%dma_start3A_630, %dma_start3A_631] : memref<100000x128xf32, #tpu.memory_space<hbm>> -> memref<100000x128xf32, #tpu.memory_space<hbm>>
    tpu.enqueue_indirect_dma source(%dma_start3A_632 : memref<100000x128xf32, #tpu.memory_space<hbm>>) target(%dma_start3A_627 : memref<256x128xf32, #tpu.memory_space<vmem>>) offsets(%dma_start3A_629 : memref<256xi32, #tpu.memory_space<vmem>>) semaphore(%arg13 : memref<!tpu.dma_semaphore, #tpu.memory_space<semaphore_mem>>)
    %dma_wait3A_633 = arith.constant 1 : i32
    %dma_wait3A_634 = arith.constant 0 : i32
    %dma_wait3A_635 = arith.constant 0 : i32
    %dma_wait3A_636 = tpu.memref_slice %arg11[%dma_wait3A_633, %dma_wait3A_634, %dma_wait3A_635] : memref<3x256x128xf32, #tpu.memory_space<vmem>> -> memref<1x256x128xf32, #tpu.memory_space<vmem>>
    %dma_wait3A_637 = tpu.memref_squeeze %dma_wait3A_636 : memref<1x256x128xf32, #tpu.memory_space<vmem>> -> memref<256x128xf32, #tpu.memory_space<vmem>>
    %dma_wait3A_638 = arith.constant 2560 : i32
    %dma_wait3A_639 = tpu.memref_slice %arg10[%dma_wait3A_638] : memref<3584xi32, #tpu.memory_space<vmem>> -> memref<256xi32, #tpu.memory_space<vmem>>
    %dma_wait3A_640 = arith.constant 0 : i32
    %dma_wait3A_641 = arith.constant 0 : i32
    %dma_wait3A_642 = tpu.memref_slice %arg6[%dma_wait3A_640, %dma_wait3A_641] : memref<100000x128xf32, #tpu.memory_space<hbm>> -> memref<100000x128xf32, #tpu.memory_space<hbm>>
    tpu.wait_indirect_dma semaphore(%arg14 : memref<!tpu.dma_semaphore, #tpu.memory_space<semaphore_mem>>) src(%dma_wait3A_642 : memref<100000x128xf32, #tpu.memory_space<hbm>>) dst(%dma_wait3A_637 : memref<256x128xf32, #tpu.memory_space<vmem>>)
    %dma_start3A_643 = arith.constant 1 : i32
    %dma_start3A_644 = arith.constant 0 : i32
    %dma_start3A_645 = arith.constant 0 : i32
    %dma_start3A_646 = tpu.memref_slice %arg11[%dma_start3A_643, %dma_start3A_644, %dma_start3A_645] : memref<3x256x128xf32, #tpu.memory_space<vmem>> -> memref<1x256x128xf32, #tpu.memory_space<vmem>>
    %dma_start3A_647 = tpu.memref_squeeze %dma_start3A_646 : memref<1x256x128xf32, #tpu.memory_space<vmem>> -> memref<256x128xf32, #tpu.memory_space<vmem>>
    %dma_start3A_648 = arith.constant 0 : i32
    %dma_start3A_649 = tpu.memref_slice %arg9[%add3A_89, %dma_start3A_648] : memref<81920x128xf32, #tpu.memory_space<hbm>> -> memref<256x128xf32, #tpu.memory_space<hbm>>
    %dma_start3A_650 = arith.constant 0 : i32
    %dma_start3A_651 = tpu.memref_slice %arg9[%add3A_89, %dma_start3A_650] : memref<81920x128xf32, #tpu.memory_space<hbm>> -> memref<256x128xf32, #tpu.memory_space<hbm>>
    %dma_start3A_652 = arith.constant 0 : i32
    %dma_start3A_653 = arith.constant 0 : i32
    %dma_start3A_654 = tpu.memref_slice %arg11[%dma_start3A_643, %dma_start3A_652, %dma_start3A_653] : memref<3x256x128xf32, #tpu.memory_space<vmem>> -> memref<1x256x128xf32, #tpu.memory_space<vmem>>
    %dma_start3A_655 = tpu.memref_squeeze %dma_start3A_654 : memref<1x256x128xf32, #tpu.memory_space<vmem>> -> memref<256x128xf32, #tpu.memory_space<vmem>>
    tpu.enqueue_dma source(%dma_start3A_655 : memref<256x128xf32, #tpu.memory_space<vmem>>) target(%dma_start3A_651 : memref<256x128xf32, #tpu.memory_space<hbm>>) target_semaphore(%arg17 : memref<!tpu.dma_semaphore, #tpu.memory_space<semaphore_mem>>)
    %dma_wait3A_656 = arith.constant 1 : i32
    %dma_wait3A_657 = arith.constant 0 : i32
    %dma_wait3A_658 = arith.constant 0 : i32
    %dma_wait3A_659 = tpu.memref_slice %arg11[%dma_wait3A_656, %dma_wait3A_657, %dma_wait3A_658] : memref<3x256x128xf32, #tpu.memory_space<vmem>> -> memref<1x256x128xf32, #tpu.memory_space<vmem>>
    %dma_wait3A_660 = tpu.memref_squeeze %dma_wait3A_659 : memref<1x256x128xf32, #tpu.memory_space<vmem>> -> memref<256x128xf32, #tpu.memory_space<vmem>>
    %dma_wait3A_661 = arith.constant 0 : i32
    %dma_wait3A_662 = tpu.memref_slice %arg9[%add3A_89, %dma_wait3A_661] : memref<81920x128xf32, #tpu.memory_space<hbm>> -> memref<256x128xf32, #tpu.memory_space<hbm>>
    %dma_wait3A_663 = arith.constant 0 : i32
    %dma_wait3A_664 = tpu.memref_slice %arg9[%add3A_89, %dma_wait3A_663] : memref<81920x128xf32, #tpu.memory_space<hbm>> -> memref<256x128xf32, #tpu.memory_space<hbm>>
    %dma_wait3A_665 = arith.constant 0 : i32
    %dma_wait3A_666 = arith.constant 0 : i32
    %dma_wait3A_667 = tpu.memref_slice %arg11[%dma_wait3A_656, %dma_wait3A_665, %dma_wait3A_666] : memref<3x256x128xf32, #tpu.memory_space<vmem>> -> memref<1x256x128xf32, #tpu.memory_space<vmem>>
    %dma_wait3A_668 = tpu.memref_squeeze %dma_wait3A_667 : memref<1x256x128xf32, #tpu.memory_space<vmem>> -> memref<256x128xf32, #tpu.memory_space<vmem>>
    tpu.wait_dma2 semaphore(%arg17 : memref<!tpu.dma_semaphore, #tpu.memory_space<semaphore_mem>>) src(%dma_wait3A_668 : memref<256x128xf32, #tpu.memory_space<vmem>>) dst(%dma_wait3A_664 : memref<256x128xf32, #tpu.memory_space<hbm>>)
    %dma_start3A_669 = arith.constant 1 : i32
    %dma_start3A_670 = arith.constant 0 : i32
    %dma_start3A_671 = arith.constant 0 : i32
    %dma_start3A_672 = tpu.memref_slice %arg11[%dma_start3A_669, %dma_start3A_670, %dma_start3A_671] : memref<3x256x128xf32, #tpu.memory_space<vmem>> -> memref<1x256x128xf32, #tpu.memory_space<vmem>>
    %dma_start3A_673 = tpu.memref_squeeze %dma_start3A_672 : memref<1x256x128xf32, #tpu.memory_space<vmem>> -> memref<256x128xf32, #tpu.memory_space<vmem>>
    %dma_start3A_674 = arith.constant 3328 : i32
    %dma_start3A_675 = tpu.memref_slice %arg10[%dma_start3A_674] : memref<3584xi32, #tpu.memory_space<vmem>> -> memref<256xi32, #tpu.memory_space<vmem>>
    %dma_start3A_676 = arith.constant 0 : i32
    %dma_start3A_677 = arith.constant 0 : i32
    %dma_start3A_678 = tpu.memref_slice %arg6[%dma_start3A_676, %dma_start3A_677] : memref<100000x128xf32, #tpu.memory_space<hbm>> -> memref<100000x128xf32, #tpu.memory_space<hbm>>
    tpu.enqueue_indirect_dma source(%dma_start3A_678 : memref<100000x128xf32, #tpu.memory_space<hbm>>) target(%dma_start3A_673 : memref<256x128xf32, #tpu.memory_space<vmem>>) offsets(%dma_start3A_675 : memref<256xi32, #tpu.memory_space<vmem>>) semaphore(%arg14 : memref<!tpu.dma_semaphore, #tpu.memory_space<semaphore_mem>>)
    %dma_wait3A_679 = arith.constant 2 : i32
    %dma_wait3A_680 = arith.constant 0 : i32
    %dma_wait3A_681 = arith.constant 0 : i32
    %dma_wait3A_682 = tpu.memref_slice %arg11[%dma_wait3A_679, %dma_wait3A_680, %dma_wait3A_681] : memref<3x256x128xf32, #tpu.memory_space<vmem>> -> memref<1x256x128xf32, #tpu.memory_space<vmem>>
    %dma_wait3A_683 = tpu.memref_squeeze %dma_wait3A_682 : memref<1x256x128xf32, #tpu.memory_space<vmem>> -> memref<256x128xf32, #tpu.memory_space<vmem>>
    %dma_wait3A_684 = arith.constant 2816 : i32
    %dma_wait3A_685 = tpu.memref_slice %arg10[%dma_wait3A_684] : memref<3584xi32, #tpu.memory_space<vmem>> -> memref<256xi32, #tpu.memory_space<vmem>>
    %dma_wait3A_686 = arith.constant 0 : i32
    %dma_wait3A_687 = arith.constant 0 : i32
    %dma_wait3A_688 = tpu.memref_slice %arg6[%dma_wait3A_686, %dma_wait3A_687] : memref<100000x128xf32, #tpu.memory_space<hbm>> -> memref<100000x128xf32, #tpu.memory_space<hbm>>
    tpu.wait_indirect_dma semaphore(%arg15 : memref<!tpu.dma_semaphore, #tpu.memory_space<semaphore_mem>>) src(%dma_wait3A_688 : memref<100000x128xf32, #tpu.memory_space<hbm>>) dst(%dma_wait3A_683 : memref<256x128xf32, #tpu.memory_space<vmem>>)
    %dma_start3A_689 = arith.constant 2 : i32
    %dma_start3A_690 = arith.constant 0 : i32
    %dma_start3A_691 = arith.constant 0 : i32
    %dma_start3A_692 = tpu.memref_slice %arg11[%dma_start3A_689, %dma_start3A_690, %dma_start3A_691] : memref<3x256x128xf32, #tpu.memory_space<vmem>> -> memref<1x256x128xf32, #tpu.memory_space<vmem>>
    %dma_start3A_693 = tpu.memref_squeeze %dma_start3A_692 : memref<1x256x128xf32, #tpu.memory_space<vmem>> -> memref<256x128xf32, #tpu.memory_space<vmem>>
    %dma_start3A_694 = arith.constant 0 : i32
    %dma_start3A_695 = tpu.memref_slice %arg9[%add3A_93, %dma_start3A_694] : memref<81920x128xf32, #tpu.memory_space<hbm>> -> memref<256x128xf32, #tpu.memory_space<hbm>>
    %dma_start3A_696 = arith.constant 0 : i32
    %dma_start3A_697 = tpu.memref_slice %arg9[%add3A_93, %dma_start3A_696] : memref<81920x128xf32, #tpu.memory_space<hbm>> -> memref<256x128xf32, #tpu.memory_space<hbm>>
    %dma_start3A_698 = arith.constant 0 : i32
    %dma_start3A_699 = arith.constant 0 : i32
    %dma_start3A_700 = tpu.memref_slice %arg11[%dma_start3A_689, %dma_start3A_698, %dma_start3A_699] : memref<3x256x128xf32, #tpu.memory_space<vmem>> -> memref<1x256x128xf32, #tpu.memory_space<vmem>>
    %dma_start3A_701 = tpu.memref_squeeze %dma_start3A_700 : memref<1x256x128xf32, #tpu.memory_space<vmem>> -> memref<256x128xf32, #tpu.memory_space<vmem>>
    tpu.enqueue_dma source(%dma_start3A_701 : memref<256x128xf32, #tpu.memory_space<vmem>>) target(%dma_start3A_697 : memref<256x128xf32, #tpu.memory_space<hbm>>) target_semaphore(%arg18 : memref<!tpu.dma_semaphore, #tpu.memory_space<semaphore_mem>>)
    %dma_wait3A_702 = arith.constant 0 : i32
    %dma_wait3A_703 = arith.constant 0 : i32
    %dma_wait3A_704 = arith.constant 0 : i32
    %dma_wait3A_705 = tpu.memref_slice %arg11[%dma_wait3A_702, %dma_wait3A_703, %dma_wait3A_704] : memref<3x256x128xf32, #tpu.memory_space<vmem>> -> memref<1x256x128xf32, #tpu.memory_space<vmem>>
    %dma_wait3A_706 = tpu.memref_squeeze %dma_wait3A_705 : memref<1x256x128xf32, #tpu.memory_space<vmem>> -> memref<256x128xf32, #tpu.memory_space<vmem>>
    %dma_wait3A_707 = arith.constant 3072 : i32
    %dma_wait3A_708 = tpu.memref_slice %arg10[%dma_wait3A_707] : memref<3584xi32, #tpu.memory_space<vmem>> -> memref<256xi32, #tpu.memory_space<vmem>>
    %dma_wait3A_709 = arith.constant 0 : i32
    %dma_wait3A_710 = arith.constant 0 : i32
    %dma_wait3A_711 = tpu.memref_slice %arg6[%dma_wait3A_709, %dma_wait3A_710] : memref<100000x128xf32, #tpu.memory_space<hbm>> -> memref<100000x128xf32, #tpu.memory_space<hbm>>
    tpu.wait_indirect_dma semaphore(%arg13 : memref<!tpu.dma_semaphore, #tpu.memory_space<semaphore_mem>>) src(%dma_wait3A_711 : memref<100000x128xf32, #tpu.memory_space<hbm>>) dst(%dma_wait3A_706 : memref<256x128xf32, #tpu.memory_space<vmem>>)
    %dma_start3A_712 = arith.constant 0 : i32
    %dma_start3A_713 = arith.constant 0 : i32
    %dma_start3A_714 = arith.constant 0 : i32
    %dma_start3A_715 = tpu.memref_slice %arg11[%dma_start3A_712, %dma_start3A_713, %dma_start3A_714] : memref<3x256x128xf32, #tpu.memory_space<vmem>> -> memref<1x256x128xf32, #tpu.memory_space<vmem>>
    %dma_start3A_716 = tpu.memref_squeeze %dma_start3A_715 : memref<1x256x128xf32, #tpu.memory_space<vmem>> -> memref<256x128xf32, #tpu.memory_space<vmem>>
    %dma_start3A_717 = arith.constant 0 : i32
    %dma_start3A_718 = tpu.memref_slice %arg9[%add3A_97, %dma_start3A_717] : memref<81920x128xf32, #tpu.memory_space<hbm>> -> memref<256x128xf32, #tpu.memory_space<hbm>>
    %dma_start3A_719 = arith.constant 0 : i32
    %dma_start3A_720 = tpu.memref_slice %arg9[%add3A_97, %dma_start3A_719] : memref<81920x128xf32, #tpu.memory_space<hbm>> -> memref<256x128xf32, #tpu.memory_space<hbm>>
    %dma_start3A_721 = arith.constant 0 : i32
    %dma_start3A_722 = arith.constant 0 : i32
    %dma_start3A_723 = tpu.memref_slice %arg11[%dma_start3A_712, %dma_start3A_721, %dma_start3A_722] : memref<3x256x128xf32, #tpu.memory_space<vmem>> -> memref<1x256x128xf32, #tpu.memory_space<vmem>>
    %dma_start3A_724 = tpu.memref_squeeze %dma_start3A_723 : memref<1x256x128xf32, #tpu.memory_space<vmem>> -> memref<256x128xf32, #tpu.memory_space<vmem>>
    tpu.enqueue_dma source(%dma_start3A_724 : memref<256x128xf32, #tpu.memory_space<vmem>>) target(%dma_start3A_720 : memref<256x128xf32, #tpu.memory_space<hbm>>) target_semaphore(%arg16 : memref<!tpu.dma_semaphore, #tpu.memory_space<semaphore_mem>>)
    %dma_wait3A_725 = arith.constant 1 : i32
    %dma_wait3A_726 = arith.constant 0 : i32
    %dma_wait3A_727 = arith.constant 0 : i32
    %dma_wait3A_728 = tpu.memref_slice %arg11[%dma_wait3A_725, %dma_wait3A_726, %dma_wait3A_727] : memref<3x256x128xf32, #tpu.memory_space<vmem>> -> memref<1x256x128xf32, #tpu.memory_space<vmem>>
    %dma_wait3A_729 = tpu.memref_squeeze %dma_wait3A_728 : memref<1x256x128xf32, #tpu.memory_space<vmem>> -> memref<256x128xf32, #tpu.memory_space<vmem>>
    %dma_wait3A_730 = arith.constant 3328 : i32
    %dma_wait3A_731 = tpu.memref_slice %arg10[%dma_wait3A_730] : memref<3584xi32, #tpu.memory_space<vmem>> -> memref<256xi32, #tpu.memory_space<vmem>>
    %dma_wait3A_732 = arith.constant 0 : i32
    %dma_wait3A_733 = arith.constant 0 : i32
    %dma_wait3A_734 = tpu.memref_slice %arg6[%dma_wait3A_732, %dma_wait3A_733] : memref<100000x128xf32, #tpu.memory_space<hbm>> -> memref<100000x128xf32, #tpu.memory_space<hbm>>
    tpu.wait_indirect_dma semaphore(%arg14 : memref<!tpu.dma_semaphore, #tpu.memory_space<semaphore_mem>>) src(%dma_wait3A_734 : memref<100000x128xf32, #tpu.memory_space<hbm>>) dst(%dma_wait3A_729 : memref<256x128xf32, #tpu.memory_space<vmem>>)
    %dma_start3A_735 = arith.constant 1 : i32
    %dma_start3A_736 = arith.constant 0 : i32
    %dma_start3A_737 = arith.constant 0 : i32
    %dma_start3A_738 = tpu.memref_slice %arg11[%dma_start3A_735, %dma_start3A_736, %dma_start3A_737] : memref<3x256x128xf32, #tpu.memory_space<vmem>> -> memref<1x256x128xf32, #tpu.memory_space<vmem>>
    %dma_start3A_739 = tpu.memref_squeeze %dma_start3A_738 : memref<1x256x128xf32, #tpu.memory_space<vmem>> -> memref<256x128xf32, #tpu.memory_space<vmem>>
    %dma_start3A_740 = arith.constant 0 : i32
    %dma_start3A_741 = tpu.memref_slice %arg9[%add3A_101, %dma_start3A_740] : memref<81920x128xf32, #tpu.memory_space<hbm>> -> memref<256x128xf32, #tpu.memory_space<hbm>>
    %dma_start3A_742 = arith.constant 0 : i32
    %dma_start3A_743 = tpu.memref_slice %arg9[%add3A_101, %dma_start3A_742] : memref<81920x128xf32, #tpu.memory_space<hbm>> -> memref<256x128xf32, #tpu.memory_space<hbm>>
    %dma_start3A_744 = arith.constant 0 : i32
    %dma_start3A_745 = arith.constant 0 : i32
    %dma_start3A_746 = tpu.memref_slice %arg11[%dma_start3A_735, %dma_start3A_744, %dma_start3A_745] : memref<3x256x128xf32, #tpu.memory_space<vmem>> -> memref<1x256x128xf32, #tpu.memory_space<vmem>>
    %dma_start3A_747 = tpu.memref_squeeze %dma_start3A_746 : memref<1x256x128xf32, #tpu.memory_space<vmem>> -> memref<256x128xf32, #tpu.memory_space<vmem>>
    tpu.enqueue_dma source(%dma_start3A_747 : memref<256x128xf32, #tpu.memory_space<vmem>>) target(%dma_start3A_743 : memref<256x128xf32, #tpu.memory_space<hbm>>) target_semaphore(%arg17 : memref<!tpu.dma_semaphore, #tpu.memory_space<semaphore_mem>>)
    %dma_wait3A_748 = arith.constant 2 : i32
    %dma_wait3A_749 = arith.constant 0 : i32
    %dma_wait3A_750 = arith.constant 0 : i32
    %dma_wait3A_751 = tpu.memref_slice %arg11[%dma_wait3A_748, %dma_wait3A_749, %dma_wait3A_750] : memref<3x256x128xf32, #tpu.memory_space<vmem>> -> memref<1x256x128xf32, #tpu.memory_space<vmem>>
    %dma_wait3A_752 = tpu.memref_squeeze %dma_wait3A_751 : memref<1x256x128xf32, #tpu.memory_space<vmem>> -> memref<256x128xf32, #tpu.memory_space<vmem>>
    %dma_wait3A_753 = arith.constant 0 : i32
    %dma_wait3A_754 = tpu.memref_slice %arg9[%add3A_93, %dma_wait3A_753] : memref<81920x128xf32, #tpu.memory_space<hbm>> -> memref<256x128xf32, #tpu.memory_space<hbm>>
    %dma_wait3A_755 = arith.constant 0 : i32
    %dma_wait3A_756 = tpu.memref_slice %arg9[%add3A_93, %dma_wait3A_755] : memref<81920x128xf32, #tpu.memory_space<hbm>> -> memref<256x128xf32, #tpu.memory_space<hbm>>
    %dma_wait3A_757 = arith.constant 0 : i32
    %dma_wait3A_758 = arith.constant 0 : i32
    %dma_wait3A_759 = tpu.memref_slice %arg11[%dma_wait3A_748, %dma_wait3A_757, %dma_wait3A_758] : memref<3x256x128xf32, #tpu.memory_space<vmem>> -> memref<1x256x128xf32, #tpu.memory_space<vmem>>
    %dma_wait3A_760 = tpu.memref_squeeze %dma_wait3A_759 : memref<1x256x128xf32, #tpu.memory_space<vmem>> -> memref<256x128xf32, #tpu.memory_space<vmem>>
    tpu.wait_dma2 semaphore(%arg18 : memref<!tpu.dma_semaphore, #tpu.memory_space<semaphore_mem>>) src(%dma_wait3A_760 : memref<256x128xf32, #tpu.memory_space<vmem>>) dst(%dma_wait3A_756 : memref<256x128xf32, #tpu.memory_space<hbm>>)
    %dma_wait3A_761 = arith.constant 0 : i32
    %dma_wait3A_762 = arith.constant 0 : i32
    %dma_wait3A_763 = arith.constant 0 : i32
    %dma_wait3A_764 = tpu.memref_slice %arg11[%dma_wait3A_761, %dma_wait3A_762, %dma_wait3A_763] : memref<3x256x128xf32, #tpu.memory_space<vmem>> -> memref<1x256x128xf32, #tpu.memory_space<vmem>>
    %dma_wait3A_765 = tpu.memref_squeeze %dma_wait3A_764 : memref<1x256x128xf32, #tpu.memory_space<vmem>> -> memref<256x128xf32, #tpu.memory_space<vmem>>
    %dma_wait3A_766 = arith.constant 0 : i32
    %dma_wait3A_767 = tpu.memref_slice %arg9[%add3A_97, %dma_wait3A_766] : memref<81920x128xf32, #tpu.memory_space<hbm>> -> memref<256x128xf32, #tpu.memory_space<hbm>>
    %dma_wait3A_768 = arith.constant 0 : i32
    %dma_wait3A_769 = tpu.memref_slice %arg9[%add3A_97, %dma_wait3A_768] : memref<81920x128xf32, #tpu.memory_space<hbm>> -> memref<256x128xf32, #tpu.memory_space<hbm>>
    %dma_wait3A_770 = arith.constant 0 : i32
    %dma_wait3A_771 = arith.constant 0 : i32
    %dma_wait3A_772 = tpu.memref_slice %arg11[%dma_wait3A_761, %dma_wait3A_770, %dma_wait3A_771] : memref<3x256x128xf32, #tpu.memory_space<vmem>> -> memref<1x256x128xf32, #tpu.memory_space<vmem>>
    %dma_wait3A_773 = tpu.memref_squeeze %dma_wait3A_772 : memref<1x256x128xf32, #tpu.memory_space<vmem>> -> memref<256x128xf32, #tpu.memory_space<vmem>>
    tpu.wait_dma2 semaphore(%arg16 : memref<!tpu.dma_semaphore, #tpu.memory_space<semaphore_mem>>) src(%dma_wait3A_773 : memref<256x128xf32, #tpu.memory_space<vmem>>) dst(%dma_wait3A_769 : memref<256x128xf32, #tpu.memory_space<hbm>>)
    %dma_wait3A_774 = arith.constant 1 : i32
    %dma_wait3A_775 = arith.constant 0 : i32
    %dma_wait3A_776 = arith.constant 0 : i32
    %dma_wait3A_777 = tpu.memref_slice %arg11[%dma_wait3A_774, %dma_wait3A_775, %dma_wait3A_776] : memref<3x256x128xf32, #tpu.memory_space<vmem>> -> memref<1x256x128xf32, #tpu.memory_space<vmem>>
    %dma_wait3A_778 = tpu.memref_squeeze %dma_wait3A_777 : memref<1x256x128xf32, #tpu.memory_space<vmem>> -> memref<256x128xf32, #tpu.memory_space<vmem>>
    %dma_wait3A_779 = arith.constant 0 : i32
    %dma_wait3A_780 = tpu.memref_slice %arg9[%add3A_101, %dma_wait3A_779] : memref<81920x128xf32, #tpu.memory_space<hbm>> -> memref<256x128xf32, #tpu.memory_space<hbm>>
    %dma_wait3A_781 = arith.constant 0 : i32
    %dma_wait3A_782 = tpu.memref_slice %arg9[%add3A_101, %dma_wait3A_781] : memref<81920x128xf32, #tpu.memory_space<hbm>> -> memref<256x128xf32, #tpu.memory_space<hbm>>
    %dma_wait3A_783 = arith.constant 0 : i32
    %dma_wait3A_784 = arith.constant 0 : i32
    %dma_wait3A_785 = tpu.memref_slice %arg11[%dma_wait3A_774, %dma_wait3A_783, %dma_wait3A_784] : memref<3x256x128xf32, #tpu.memory_space<vmem>> -> memref<1x256x128xf32, #tpu.memory_space<vmem>>
    %dma_wait3A_786 = tpu.memref_squeeze %dma_wait3A_785 : memref<1x256x128xf32, #tpu.memory_space<vmem>> -> memref<256x128xf32, #tpu.memory_space<vmem>>
    tpu.wait_dma2 semaphore(%arg17 : memref<!tpu.dma_semaphore, #tpu.memory_space<semaphore_mem>>) src(%dma_wait3A_786 : memref<256x128xf32, #tpu.memory_space<vmem>>) dst(%dma_wait3A_782 : memref<256x128xf32, #tpu.memory_space<hbm>>)
    return
  }
}

</mosaic_0001>

<sc_bundles>
// kernel: kernel.3.cloned.1.call-start
scs
__scs_entry_jumppad:
0x0: {  	(pc) =	sbr.rel $0x88, $3  }
0x1: {  	(tag) =	ssettag $0x0;
	lr =	simm.s32 $0x1  }
0x2: {  	[smem:$0x3F9C] =	sst lr;
	_ =	strace $0xD0000000  }
0x3: {  	_ = 	snop  }
0x4: {  	_ = 	snop  }
0x5: {  	_ = 	snop  }
0x6: {  	_ = 	snop  }
0x7: {  	_ = 	snop  }
__scs_overlays_trampoline_lowered:
0x8: {  	[smem:$0x3FAB] =	sst s0  }
0x9: {  	[smem:$0x3FAC] =	sst s1  }
0xa: {  	[smem:$0x3FAD] =	sst s2  }
0xb: {  	[smem:$0x3FAE] =	sst s3  }
0xc: {  	[smem:$0x3FAF] =	sst s4  }
0xd: {  	[smem:$0x3FB0] =	sst s5  }
0xe: {  	[smem:$0x3FB1] =	sst s6  }
0xf: {  	[smem:$0x3FB2] =	sst s7  }
0x10: {  	[smem:$0x3FB3] =	sst s8  }
0x11: {  	[smem:$0x3FB4] =	sst s9;
	s0 =	simm.s32 @!p0 $0x0  }
0x12: {  	s1 =	sld [smem:$0x3F9A];
	s0 =	simm.s32 @p0 $0x1  }
0x13: {  	[smem:$0x3FB5] =	sst s0;
	s0 =	simm.s32 @!p1 $0x0  }
0x14: {  	s2 =	sld [smem:$0x3F99];
	s0 =	simm.s32 @p1 $0x1  }
0x15: {  	[smem:$0x3FB6] =	sst s0;
	s0 =	simm.s32 @!p2 $0x0  }
0x16: {  	s3 =	sld [smem:$0x3FDB];
	s0 =	simm.s32 @p2 $0x1  }
0x17: {  	s4 =	simm.s32 $0x1BF5;
	[smem:$0x3FB8] =	sst s0  }
0x18: {  	s0 =	sld [smem:$0x3F9B];
	_ =	swait.ge [sflag:s4], $0x0  }
0x19: {  	s7 =	sld [smem:$0x3F9C]  }
0x1a: {  	s8 =	sadd.s32 $0xFFFFE003, lr  }
0x1b: {  	s9 =	sadd.s32 $0xFFFFFEF7, lr;
	s5 =	simm.s32 $0xFFFFFFFF;
	p2 =	slt.u32 s8, $0xFFFFF086  }
0x1c: {  	p1 =	slt.u32 s9, $0xF7A;
	s5 =	simm.s32 @!p2 $0x0  }
0x1d: {  	s5 =	simm.s32 @p1 $0x1;
	p0 =	seq.s32 s7, s2  }
0x1e: {  	s7 =	smul.u32 @!p0 $0xF7A, s2;
	p2 =	seq.s32 @!p0 s5, $0x0  }
0x1f: {  	s9 =	smul.u32 $0xF7A, s1;
	s8 =	simm.s32 @!p0 $0x1BF5;
	p2 =	por !p2, p0  }
0x20: {  	[sflag:s8] =	ssyncset.s32 @!p0 $0xFFFFF086;
	s6 =	sadd.s32 @!p0 s3, s7;
	s7 =	simm.s32 @!p0 $0x108  }
0x21: {  	s3 =	sadd.s32 s3, s9;
	s6 =	sadd.s32 @!p0 $0x88, s6;
	s7 =	simm.s32 @p2 $0x1082  }
0x22: {  	[simem:s7], [sflag:s8] =	dma.local @!p0 [hbm:s6], $0xF7A  }
0x23: {  	s9 =	sor.u32 $0xD0000000, s2;
	s6 =	simm.s32 $0x108;
	_ =	swait.ge @!p0 [sflag:s8], $0x0  }
0x24: {  	s3 =	sadd.s32 $0x88, s3;
	s6 =	simm.s32 @!p1 $0x1082;
	[sflag:s4] =	ssyncset.s32 $0xFFFFF086  }
0x25: {  	[simem:s6], [sflag:s4] =	dma.local [hbm:s3], $0xF7A  }
0x26: {  	[smem:$0x3F9C] =	sst s1;
	(tag) =	ssettag s2;
	_ =	strace s9  }
0x27: {  	s1 =	sld [smem:$0x3FAC]  }
0x28: {  	s2 =	sld [smem:$0x3FAD]  }
0x29: {  	s4 =	sld [smem:$0x3FAF]  }
0x2a: {  	p0 =	seq.s32 s5, $0x0;
	s5 =	sld [smem:$0x3FB0]  }
0x2b: {  	s6 =	sld [smem:$0x3FB1]  }
0x2c: {  	s7 =	sld [smem:$0x3FB2]  }
0x2d: {  	s3 =	simm.s32 $0x108;
	s8 =	sld [smem:$0x3FB3]  }
0x2e: {  	s3 =	simm.s32 @!p0 $0x1082;
	s9 =	sld [smem:$0x3FB4]  }
0x2f: {  	lr =	sadd.s32 s0, s3;
	s0 =	sld [smem:$0x3FAB]  }
0x30: {  	s3 =	sld [smem:$0x3FAE]  }
0x31: {  	[smem:$0x3FB7] =	sst s10  }
0x32: {  	s10 =	sld [smem:$0x3FB5];
	_ =	sdelay $0x3  }
0x33: {  	p0 =	seq.s32 s10, $0x1;
	s10 =	sld [smem:$0x3FB7];
	_ =	sdelay $0x3  }
0x34: {  	[smem:$0x3FB7] =	sst s10  }
0x35: {  	s10 =	sld [smem:$0x3FB6];
	_ =	sdelay $0x3  }
0x36: {  	p1 =	seq.s32 s10, $0x1;
	s10 =	sld [smem:$0x3FB7];
	_ =	sdelay $0x3  }
0x37: {  	[smem:$0x3FB7] =	sst s10  }
0x38: {  	s10 =	sld [smem:$0x3FB8]  }
0x39: {  	_ = 	snop;
	(pc) =	sbr.ind lr, $3  }
0x3a: {  	_ = 	snop  }
0x3b: {  	_ = 	snop  }
0x3c: {  	p2 =	seq.s32 s10, $0x1;
	s10 =	sld [smem:$0x3FB7]  }
0x3d: {  	_ =	shalt  }
0x3e: {  	_ =	shalt  }
0x3f: {  	_ =	shalt  }
0x40: {  	_ =	shalt  }
0x41: {  	_ =	shalt  }
0x42: {  	_ =	shalt  }
0x43: {  	_ =	shalt  }
0x44: {  	_ =	shalt  }
0x45: {  	_ =	shalt  }
0x46: {  	_ =	shalt  }
0x47: {  	_ =	shalt  }
0x48: {  	_ =	shalt  }
0x49: {  	_ =	shalt  }
0x4a: {  	_ =	shalt  }
0x4b: {  	_ =	shalt  }
0x4c: {  	_ =	shalt  }
0x4d: {  	_ =	shalt  }
0x4e: {  	_ =	shalt  }
0x4f: {  	_ =	shalt  }
0x50: {  	_ =	shalt  }
0x51: {  	_ =	shalt  }
0x52: {  	_ =	shalt  }
0x53: {  	_ =	shalt  }
0x54: {  	_ =	shalt  }
0x55: {  	_ =	shalt  }
0x56: {  	_ =	shalt  }
0x57: {  	_ =	shalt  }
0x58: {  	_ =	shalt  }
0x59: {  	_ =	shalt  }
0x5a: {  	_ =	shalt  }
0x5b: {  	_ =	shalt  }
0x5c: {  	_ =	shalt  }
0x5d: {  	_ =	shalt  }
0x5e: {  	_ =	shalt  }
0x5f: {  	_ =	shalt  }
0x60: {  	_ =	shalt  }
0x61: {  	_ =	shalt  }
0x62: {  	_ =	shalt  }
0x63: {  	_ =	shalt  }
0x64: {  	_ =	shalt  }
0x65: {  	_ =	shalt  }
0x66: {  	_ =	shalt  }
0x67: {  	_ =	shalt  }
0x68: {  	_ =	shalt  }
0x69: {  	_ =	shalt  }
0x6a: {  	_ =	shalt  }
0x6b: {  	_ =	shalt  }
0x6c: {  	_ =	shalt  }
0x6d: {  	_ =	shalt  }
0x6e: {  	_ =	shalt  }
0x6f: {  	_ =	shalt  }
0x70: {  	_ =	shalt  }
0x71: {  	_ =	shalt  }
0x72: {  	_ =	shalt  }
0x73: {  	_ =	shalt  }
0x74: {  	_ =	shalt  }
0x75: {  	_ =	shalt  }
0x76: {  	_ =	shalt  }
0x77: {  	_ =	shalt  }
0x78: {  	_ =	shalt  }
0x79: {  	_ =	shalt  }
0x7a: {  	_ =	shalt  }
0x7b: {  	_ =	shalt  }
0x7c: {  	_ =	shalt  }
0x7d: {  	_ =	shalt  }
0x7e: {  	_ =	shalt  }
0x7f: {  	_ =	shalt  }
0x80: {  	_ =	shalt  }
0x81: {  	_ =	shalt  }
0x82: {  	_ =	shalt  }
0x83: {  	_ =	shalt  }
0x84: {  	_ =	shalt  }
0x85: {  	_ =	shalt  }
0x86: {  	_ =	shalt  }
0x87: {  	_ =	shalt  }
.Lfunc_end0:
.L_simem_size_0:
called_computation_lowered:
.L_overlay_start_0:
0x88: {  	s2 =	sld [smem:$0x3FD9]  }
0x89: {  	s3 =	sld [smem:$0x3FFE];
	_ =	sdelay $0x1  }
0x8a: {  	s1 =	srdreg.scid  }
0x8b: {  	s0 =	sand.u32 $0x1, s1  }
0x8c: {  	s14 =	sshll.u32 s0, $0xA;
	s2 =	sadd.s32 s3, s2  }
0x8d: {  	s2 =	sadd.s32 s2, s14  }
0x8e: {  	[smem:$0x3FC3] =	sst s2  }
0x8f: {  	_ = 	snop  }
0x90: {  	s2 =	sld [smem:$0x3FC9]  }
0x91: {  	s15 =	sld [smem:$0x3FD0]  }
0x92: {  	s4 =	sld [smem:$0x3FC8]  }
0x93: {  	s5 =	sld [smem:$0x3FC6]  }
0x94: {  	s7 =	simm.s32 $0xA;
	s8 =	simm.s32 $0x10;
	s6 =	sld [smem:$0x3FC5]  }
0x95: {  	[smem:s8], [sflag:s7] =	dma.local [hbm:s15], $0x1  }
0x96: {  	_ =	swait.eq [sflag:s7], $0x1  }
0x97: {  	s16 =	sld [smem:$0x10];
	[sflag:s7] =	ssyncset.done $0x0  }
0x98: {  	s17 =	sld [smem:$0x11];
	[sflag:s7] =	ssyncadd.s32 $0xFFFFFFFF  }
0x99: {  	s18 =	sld [smem:$0x12];
	(tm) =	ssettm $0x1  }
0x9a: {  	s9 =	sld [smem:$0x3FFB];
	_ =	sdelay $0x3  }
0x9b: {  	_ =	strace s9  }
0x9c: {  	s9 =	sld [smem:$0x3FFC];
	_ =	sdelay $0x3  }
0x9d: {  	_ =	strace s9  }
0x9e: {  	s9 =	sld [smem:$0x3FFD];
	_ =	sdelay $0x3  }
0x9f: {  	_ =	strace s9  }
0xa0: {  	_ =	strace $0x8FFFFFFF  }
0xa1: {  	s19 =	sld [smem:$0x3FDB];
	_ =	sdelay $0x1  }
0xa2: {  	s10 =	simm.s32 $_scs_section_size  }
0xa3: {  	s11 =	simm.s32 $_size__tile_overlayer_lowered;
	s12 =	simm.s32 $_tile_overlayer_lowered  }
0xa4: {  	s22 =	simm.s32 $0x1BFF;
	s21 =	sshll.u32 s12, $0x1;
	s9 =	sadd.s32 s10, s19  }
0xa5: {  	s13 =	simm.s32 $0x0;
	s20 =	sshll.u32 s11, $0x1;
	s11 =	sadd.s32 s21, s9  }
0xa6: {  	[timem:s13], [sflag:s22] =	dma.local [hbm:s11], s20  }
0xa7: {  	_ =	swait.ge [sflag:s22], s20  }
0xa8: {  	s10 =	ssub.s32 $0x0, s20;
	[sflag:s22] =	ssyncset.done $0x0  }
0xa9: {  	[sflag:s22] =	ssyncadd.s32 s10;
	_ =	sdelay $0x1  }
0xaa: {  	s23 =	simm.s32 $0x1B8B  }
0xab: {  	_ =	swait.ge [sflag:s23], $0x1  }
0xac: {  	[sflag:s23] =	ssyncset.done $0x0  }
0xad: {  	s25 =	simm.s32 $0x1B8E;
	s24 =	sld [smem:$0x3FFE];
	[sflag:s23] =	ssyncadd.s32 $0xFFFFFFFF  }
0xae: {  	s26 =	simm.s32 $execute0_lowered;
	[smem:$0x3FD2] =	sst s25  }
0xaf: {  	s11 =	sshll.u32 s26, $0x1;
	_ =	strace $0x80000046;
	[dreg:$0x1] =	wrdreg $0xFFFFFFFF  }
0xb0: {  	s28 =	simm.s32 $_size_execute0_lowered;
	s9 =	sadd.s32 s9, s11;
	[dreg:$0x0] =	wrdreg $0x0  }
0xb1: {  	s11 =	sshll.u32 s28, $0x1;
	[dreg:$0x2] =	wrdreg s9  }
0xb2: {  	[dreg:$0x3] =	wrdreg s11  }
0xb3: {  	[dreg:$0x4] =	wrdreg $0xC0  }
0xb4: {  	_ =	task [dreg:s13], $0x5FFFF  }
0xb5: {  	[dreg:$0x1] =	wrdreg $0xFFFFFFFF  }
0xb6: {  	[dreg:$0x0] =	wrdreg $0x60  }
0xb7: {  	[dreg:$0x2] =	wrdreg s2  }
0xb8: {  	[dreg:$0x3] =	wrdreg s4  }
0xb9: {  	[dreg:$0x4] =	wrdreg s24  }
0xba: {  	[dreg:$0x5] =	wrdreg s5  }
0xbb: {  	[dreg:$0x6] =	wrdreg s6  }
0xbc: {  	[dreg:$0x7] =	wrdreg s16  }
0xbd: {  	[dreg:$0x8] =	wrdreg s17  }
0xbe: {  	[dreg:$0x9] =	wrdreg s18  }
0xbf: {  	[dreg:$0xa] =	wrdreg $0x9  }
0xc0: {  	_ =	task.clear_ibuf [dreg:s13], $0xBFFFF;
	_ =	strace $0x90000046  }
0xc1: {  	s29 =	simm.s32 $0x9;
	_ =	strace $0x80000048  }
0xc2: {  	_ =	swait.ge [sflag:s29], $0x1  }
0xc3: {  	[sflag:s29] =	ssyncadd.s32 $0xFFFFFFFF  }
0xc4: {  	_ =	strace $0x90000048  }
0xc5: {  	_ =	sfence  }
0xc6: {  	s30 =	sld [smem:$0x0];
	_ =	sdelay $0x2  }
0xc7: {  	s31 =	sshll.u32 s1, $0xD;
	s1 =	sshrl.u32 s1, $0x2  }
0xc8: {  	s3 =	sand.u32 $0x4000, s31;
	s1 =	sadd.s32 s1, s30  }
0xc9: {  	s0 =	sor.u32 s3, s0;
	s1 =	sshll.u32 s1, $0x11  }
0xca: {  	s0 =	sor.u32 s1, s0  }
0xcb: {  	s0 =	sadd.s32 $0x8F2B, s0  }
0xcc: {  	[sflag:s0] =	ssyncadd.remote.s32 $0x1  }
0xcd: {  	_ =	sfence.sel $0xFFFF  }
0xce: {  	[dreg:$0x0] =	wrdreg $0xFFFFFFFF;
	(pc) =	sbr.abs _section_cstart, $3  }
0xcf: {  	[dreg:$0x1] =	wrdreg $0xFFFFFFFF  }
0xd0: {  	_ =	task.clear_ibuf [dreg:s13], $0x2FFFF;
	_ =	strace $0x9FFFFFFF  }
0xd1: {  	(tm) =	ssettm $0x7FFFFFFF  }
tec
execute0_lowered:
.L_overlay_start_1:
0x0: {  	(tag) =	ssettag $0x1  }
0x1: {  	s0 =	rddreg [dreg:$0x0]  }
0x2: {  	s4 =	rddreg [dreg:$0x1]  }
0x3: {  	s5 =	rddreg [dreg:$0x2]  }
0x4: {  	s20 =	rddreg [dreg:$0x3]  }
0x5: {  	s3 =	rddreg [dreg:$0x4]  }
0x6: {  	s6 =	rddreg [dreg:$0x5];
	s1 =	srdreg.scid  }
0x7: {  	s7 =	rddreg [dreg:$0x6];
	s18 =	stileid.u32;
	s2 =	simm.s32 $0x0  }
0x8: {  	s30 =	simm.s32 $0x200;
	s28 =	simm.s32 $0x400;
	p0 =	por $0x0, $0x0  }
0x9: {  	s31 =	simm.s32 $0x500;
	s29 =	simm.s32 $0x700;
	s8 =	sand.u32 $0x1, s1  }
0xa: {  	s1 =	rddreg [dreg:$0x7];
	s9 =	sshll.u32 s18, $0xA;
	s10 =	sshll.u32 s8, $0x9  }
0xb: {  	[smem:$0x7FF] =	sst s2;
	s5 =	sadd.s32 $0x800, s5;
	s9 =	sor.u32 s10, s9  }
0xc: {  	_ =	strace $0x80000047;
	s10 =	sshrl.u32 s9, $0x3;
	s15 =	sor.u32 $0x8000, s9  }
0xd: {  	s22 =	sshll.u32 s9, $0x4;
	s0 =	sadd.s32 s0, s10;
	s11 =	sadd.s32 s4, s10  }
0xe: {  	s4 =	sor.u32 $0x4000, s9;
	s12 =	sadd.s32 s5, s10;
	[dreg:$0x9] =	wrdreg s0  }
0xf: {  	s16 =	sshrl.u32 s15, $0x3;
	s23 =	sadd.s32 s6, s22;
	[dreg:$0xa] =	wrdreg s11  }
0x10: {  	s25 =	sadd.s32 s7, s22;
	s10 =	simm.s32 $0x3;
	[dreg:$0xb] =	wrdreg s12  }
0x11: {  	s13 =	sshrl.u32 s4, $0x3;
	s11 =	sor.u32 $0xC000, s9;
	[dreg:$0x10] =	wrdreg s23  }
0x12: {  	s0 =	sadd.s32 s5, s16;
	[dreg:$0x12] =	wrdreg s25;
	s4 =	sshll.u32 s4, $0x4  }
0x13: {  	s14 =	sadd.s32 s5, s13;
	s12 =	sshrl.u32 s11, $0x3;
	[dreg:$0xd] =	wrdreg s0  }
0x14: {  	s13 =	sor.u32 $0x10000, s9;
	s9 =	sor.u32 $0x1000, s22;
	s0 =	rddreg [dreg:$0x9]  }
0x15: {  	s16 =	sshll.u32 s11, $0x4;
	[dreg:$0xc] =	wrdreg s14;
	s17 =	sadd.s32 s5, s12  }
0x16: {  	s11 =	simm.s32 $0x2;
	s24 =	sadd.s32 s6, s9;
	[dreg:$0xe] =	wrdreg s17  }
0x17: {  	s19 =	sshrl.u32 s13, $0x3;
	s26 =	sadd.s32 s7, s9;
	[dreg:$0x11] =	wrdreg s24  }
0x18: {  	s6 =	sadd.s32 s1, s9;
	s7 =	sadd.s32 s1, s4;
	[dreg:$0x13] =	wrdreg s26  }
0x19: {  	s12 =	sshll.u32 s15, $0x4;
	s25 =	sshll.u32 s13, $0x4;
	[dreg:$0x14] =	wrdreg s6  }
0x1a: {  	s13 =	simm.s32 $0x10E00;
	s21 =	sadd.s32 s5, s19;
	[dreg:$0x15] =	wrdreg s7  }
0x1b: {  	s14 =	sadd.s32 s1, s12;
	s17 =	ssub.s32 $0x2, s8;
	s19 =	sadd.s32 s1, s16  }
0x1c: {  	s5 =	sadd.s32 s1, s25;
	s25 =	simm.s32 $0x600;
	s16 =	simm.s32 $0xC00  }
0x1d: {  	s8 =	simm.s32 $0x8E00;
	s6 =	simm.s32 $0x5;
	s7 =	simm.s32 $0x6  }
0x1e: {  	[dreg:$0xf] =	wrdreg s21;
	s21 =	sadd.s32 s1, s22;
	s22 =	sshrl.u32 s17, $0x1  }
0x1f: {  	s12 =	simm.s32 $0x7;
	[dreg:$0x17] =	wrdreg s14;
	s24 =	ssub.s32 s17, s22  }
0x20: {  	[dreg:$0x19] =	wrdreg s19;
	s19 =	simm.s32 $0xA00;
	s26 =	smax.u32 s24, $0x1  }
0x21: {  	s14 =	simm.s32 $0x100;
	s9 =	sadd.s32 $0x41000, s21;
	p1 =	sne.s32 s26, $0x1  }
.Ltmp0:
0x22: {  	s15 =	sadd.s32 $0x81000, s21;
	[dreg:$0x16] =	wrdreg s9;
	(pc) =	sbr.rel @!p1 .LBB2_1-.Ltmp0, $4  }
0x23: {  	s23 =	sadd.s32 $0xC1000, s21;
	s4 =	sadd.s32 $0x101000, s21;
	[dreg:$0x18] =	wrdreg s15  }
0x24: {  	s17 =	simm.s32 $0x1;
	s22 =	simm.s32 $0xD00;
	[dreg:$0x1a] =	wrdreg s23  }
0x25: {  	s23 =	simm.s32 $0x800;
	s9 =	simm.s32 $0xE00;
	s15 =	simm.s32 $0x4  }
0x26: {  	s24 =	simm.s32 $0xB00;
	s1 =	sadd.s32 $0xFFFFFFFF, s26;
	s26 =	simm.s32 $0x900  }
0x27: {  	[tilespmem:s2], [sflag:$0x1] =	stream.linear.gather [hbm4b:s0+s2], $0x200, $0x38;
	[tilespmem:$0x18E00] =	vst v63  }
0x28: {  	s18 =	smov.u32 s1;
	s1 =	rddreg [dreg:$0xa]  }
0x29: {  	[tilespmem:s30], [sflag:$0x1] =	stream.linear.gather [hbm4b:s1+s2], $0x200, $0x38;
	[tilespmem:$0x18E00] =	vst v63  }
0x2a: {  	s0 =	rddreg [dreg:$0xb]  }
0x2b: {  	[tilespmem:s28], [sflag:$0x1] =	stream.linear.gather [hbm4b:s0+s2], $0x200, $0x38;
	[tilespmem:$0x18E00] =	vst v63  }
0x2c: {  	s1 =	rddreg [dreg:$0xc]  }
0x2d: {  	[tilespmem:s25], [sflag:$0x1] =	stream.linear.gather [hbm4b:s1+s2], $0x200, $0x38;
	[tilespmem:$0x18E00] =	vst v63  }
0x2e: {  	s0 =	rddreg [dreg:$0xd]  }
0x2f: {  	[tilespmem:s23], [sflag:$0x1] =	stream.linear.gather [hbm4b:s0+s2], $0x200, $0x38;
	[tilespmem:$0x18E00] =	vst v63  }
0x30: {  	s1 =	rddreg [dreg:$0xe]  }
0x31: {  	[tilespmem:s19], [sflag:$0x1] =	stream.linear.gather [hbm4b:s1+s2], $0x200, $0x38;
	[tilespmem:$0x18E00] =	vst v63  }
0x32: {  	s0 =	rddreg [dreg:$0xf]  }
0x33: {  	[tilespmem:s16], [sflag:$0x1] =	stream.linear.gather [hbm4b:s0+s2], $0x200, $0x38;
	[tilespmem:$0x18E00] =	vst v63  }
0x34: {  	_ =	swait.ge [sflag:s17], $0x200  }
0x35: {  	[sflag:s17] =	ssyncset.done $0x0  }
0x36: {  	[sflag:s17] =	ssyncadd.s32 $0xFFFFFE00  }
0x37: {  	[tilespmem:s9], [sflag:$0x2] =	stream.indirect.gather [hbm4b:s20+s14], $0x80, s2, s14, $0xb8;
	[tilespmem:$0x18E00] =	vst v63  }
0x38: {  	_ = 	snop  }
0x39: {  	[tilespmem:s8], [sflag:$0x3] =	stream.indirect.gather [hbm4b:s20+s14], $0x80, s14, s14, $0xb8;
	[tilespmem:$0x18E00] =	vst v63  }
0x3a: {  	_ =	swait.ge [sflag:s17], $0x200  }
0x3b: {  	[sflag:s17] =	ssyncset.done $0x0  }
0x3c: {  	[sflag:s17] =	ssyncadd.s32 $0xFFFFFE00  }
0x3d: {  	[tilespmem:s13], [sflag:$0x4] =	stream.indirect.gather [hbm4b:s3+s14], $0x80, s30, s14, $0xb8;
	[tilespmem:$0x18E00] =	vst v63  }
0x3e: {  	_ =	swait.ge [sflag:s11], $0x8000  }
0x3f: {  	[sflag:s11] =	ssyncset.done $0x0  }
0x40: {  	s1 =	rddreg [dreg:$0x10];
	[sflag:s11] =	ssyncadd.s32 $0xFFFF8000  }
0x41: {  	[hbm4b:s1+s2] =	stream.linear.scatter [tilespmem:s9], [sflag:$0x5], $0x8000, $0x38;
	[tilespmem:$0x18E00] =	vst v63  }
0x42: {  	_ =	swait.ge [sflag:s6], $0x8000  }
0x43: {  	[sflag:s6] =	ssyncset.done $0x0  }
0x44: {  	s1 =	simm.s32 $0x300;
	[sflag:s6] =	ssyncadd.s32 $0xFFFF8000  }
0x45: {  	[tilespmem:s9], [sflag:$0x2] =	stream.indirect.gather [hbm4b:s3+s14], $0x80, s1, s14, $0xb8;
	[tilespmem:$0x18E00] =	vst v63  }
0x46: {  	_ =	swait.ge [sflag:s10], $0x8000  }
0x47: {  	[sflag:s10] =	ssyncset.done $0x0  }
0x48: {  	s1 =	rddreg [dreg:$0x11];
	[sflag:s10] =	ssyncadd.s32 $0xFFFF8000  }
0x49: {  	[hbm4b:s1+s2] =	stream.linear.scatter [tilespmem:s8], [sflag:$0x6], $0x8000, $0x38;
	[tilespmem:$0x18E00] =	vst v63  }
0x4a: {  	_ =	swait.ge [sflag:s17], $0x200  }
0x4b: {  	[sflag:s17] =	ssyncset.done $0x0  }
0x4c: {  	[sflag:s17] =	ssyncadd.s32 $0xFFFFFE00  }
0x4d: {  	_ =	swait.ge [sflag:s7], $0x8000  }
0x4e: {  	[sflag:s7] =	ssyncset.done $0x0  }
0x4f: {  	[sflag:s7] =	ssyncadd.s32 $0xFFFF8000  }
0x50: {  	[tilespmem:s8], [sflag:$0x3] =	stream.indirect.gather [hbm4b:s3+s14], $0x80, s28, s14, $0xb8;
	[tilespmem:$0x18E00] =	vst v63  }
0x51: {  	_ =	swait.ge [sflag:s15], $0x8000  }
0x52: {  	[sflag:s15] =	ssyncset.done $0x0  }
0x53: {  	s1 =	rddreg [dreg:$0x12];
	[sflag:s15] =	ssyncadd.s32 $0xFFFF8000  }
0x54: {  	[hbm4b:s1+s2] =	stream.linear.scatter [tilespmem:s13], [sflag:$0x7], $0x8000, $0x38;
	[tilespmem:$0x18E00] =	vst v63  }
0x55: {  	_ =	swait.ge [sflag:s12], $0x8000  }
0x56: {  	[sflag:s12] =	ssyncset.done $0x0  }
0x57: {  	[sflag:s12] =	ssyncadd.s32 $0xFFFF8000  }
0x58: {  	[tilespmem:s13], [sflag:$0x4] =	stream.indirect.gather [hbm4b:s3+s14], $0x80, s31, s14, $0xb8;
	[tilespmem:$0x18E00] =	vst v63  }
0x59: {  	_ =	swait.ge [sflag:s11], $0x8000  }
0x5a: {  	[sflag:s11] =	ssyncset.done $0x0  }
0x5b: {  	s1 =	rddreg [dreg:$0x13];
	[sflag:s11] =	ssyncadd.s32 $0xFFFF8000  }
0x5c: {  	[hbm4b:s1+s2] =	stream.linear.scatter [tilespmem:s9], [sflag:$0x5], $0x8000, $0x38;
	[tilespmem:$0x18E00] =	vst v63  }
0x5d: {  	_ =	swait.ge [sflag:s17], $0x200  }
0x5e: {  	[sflag:s17] =	ssyncset.done $0x0  }
0x5f: {  	[sflag:s17] =	ssyncadd.s32 $0xFFFFFE00  }
0x60: {  	_ =	swait.ge [sflag:s6], $0x8000  }
0x61: {  	[sflag:s6] =	ssyncset.done $0x0  }
0x62: {  	[sflag:s6] =	ssyncadd.s32 $0xFFFF8000  }
0x63: {  	[tilespmem:s9], [sflag:$0x2] =	stream.indirect.gather [hbm4b:s3+s14], $0x80, s25, s14, $0xb8;
	[tilespmem:$0x18E00] =	vst v63  }
0x64: {  	_ =	swait.ge [sflag:s10], $0x8000  }
0x65: {  	[sflag:s10] =	ssyncset.done $0x0  }
0x66: {  	[sflag:s10] =	ssyncadd.s32 $0xFFFF8000  }
0x67: {  	[hbm4b:s21+s2] =	stream.linear.scatter [tilespmem:s8], [sflag:$0x6], $0x8000, $0x38;
	[tilespmem:$0x18E00] =	vst v63  }
0x68: {  	_ =	swait.ge [sflag:s7], $0x8000  }
0x69: {  	[sflag:s7] =	ssyncset.done $0x0  }
0x6a: {  	[sflag:s7] =	ssyncadd.s32 $0xFFFF8000  }
0x6b: {  	[tilespmem:s8], [sflag:$0x3] =	stream.indirect.gather [hbm4b:s3+s14], $0x80, s29, s14, $0xb8;
	[tilespmem:$0x18E00] =	vst v63  }
0x6c: {  	_ =	swait.ge [sflag:s15], $0x8000  }
0x6d: {  	[sflag:s15] =	ssyncset.done $0x0  }
0x6e: {  	s1 =	rddreg [dreg:$0x14];
	[sflag:s15] =	ssyncadd.s32 $0xFFFF8000  }
0x6f: {  	[hbm4b:s1+s2] =	stream.linear.scatter [tilespmem:s13], [sflag:$0x7], $0x8000, $0x38;
	[tilespmem:$0x18E00] =	vst v63  }
0x70: {  	_ =	swait.ge [sflag:s17], $0x200  }
0x71: {  	[sflag:s17] =	ssyncset.done $0x0  }
0x72: {  	[sflag:s17] =	ssyncadd.s32 $0xFFFFFE00  }
0x73: {  	_ =	swait.ge [sflag:s12], $0x8000  }
0x74: {  	[sflag:s12] =	ssyncset.done $0x0  }
0x75: {  	[sflag:s12] =	ssyncadd.s32 $0xFFFF8000  }
0x76: {  	[tilespmem:s13], [sflag:$0x4] =	stream.indirect.gather [hbm4b:s3+s14], $0x80, s23, s14, $0xb8;
	[tilespmem:$0x18E00] =	vst v63  }
0x77: {  	_ =	swait.ge [sflag:s11], $0x8000  }
0x78: {  	[sflag:s11] =	ssyncset.done $0x0  }
0x79: {  	s1 =	rddreg [dreg:$0x15];
	[sflag:s11] =	ssyncadd.s32 $0xFFFF8000  }
0x7a: {  	[hbm4b:s1+s2] =	stream.linear.scatter [tilespmem:s9], [sflag:$0x5], $0x8000, $0x38;
	[tilespmem:$0x18E00] =	vst v63  }
0x7b: {  	_ =	swait.ge [sflag:s6], $0x8000  }
0x7c: {  	[sflag:s6] =	ssyncset.done $0x0  }
0x7d: {  	[sflag:s6] =	ssyncadd.s32 $0xFFFF8000  }
0x7e: {  	[tilespmem:s9], [sflag:$0x2] =	stream.indirect.gather [hbm4b:s3+s14], $0x80, s26, s14, $0xb8;
	[tilespmem:$0x18E00] =	vst v63  }
0x7f: {  	_ =	swait.ge [sflag:s10], $0x8000  }
0x80: {  	[sflag:s10] =	ssyncset.done $0x0  }
0x81: {  	s1 =	rddreg [dreg:$0x16];
	[sflag:s10] =	ssyncadd.s32 $0xFFFF8000  }
0x82: {  	[hbm4b:s1+s2] =	stream.linear.scatter [tilespmem:s8], [sflag:$0x6], $0x8000, $0x38;
	[tilespmem:$0x18E00] =	vst v63  }
0x83: {  	_ =	swait.ge [sflag:s17], $0x200  }
0x84: {  	[sflag:s17] =	ssyncset.done $0x0  }
0x85: {  	[sflag:s17] =	ssyncadd.s32 $0xFFFFFE00  }
0x86: {  	_ =	swait.ge [sflag:s7], $0x8000  }
0x87: {  	[sflag:s7] =	ssyncset.done $0x0  }
0x88: {  	[sflag:s7] =	ssyncadd.s32 $0xFFFF8000  }
0x89: {  	[tilespmem:s8], [sflag:$0x3] =	stream.indirect.gather [hbm4b:s3+s14], $0x80, s19, s14, $0xb8;
	[tilespmem:$0x18E00] =	vst v63  }
0x8a: {  	_ =	swait.ge [sflag:s15], $0x8000  }
0x8b: {  	[sflag:s15] =	ssyncset.done $0x0  }
0x8c: {  	s1 =	rddreg [dreg:$0x17];
	[sflag:s15] =	ssyncadd.s32 $0xFFFF8000  }
0x8d: {  	[hbm4b:s1+s2] =	stream.linear.scatter [tilespmem:s13], [sflag:$0x7], $0x8000, $0x38;
	[tilespmem:$0x18E00] =	vst v63  }
0x8e: {  	_ =	swait.ge [sflag:s12], $0x8000  }
0x8f: {  	[sflag:s12] =	ssyncset.done $0x0  }
0x90: {  	[sflag:s12] =	ssyncadd.s32 $0xFFFF8000  }
0x91: {  	[tilespmem:s13], [sflag:$0x4] =	stream.indirect.gather [hbm4b:s3+s14], $0x80, s24, s14, $0xb8;
	[tilespmem:$0x18E00] =	vst v63  }
0x92: {  	_ =	swait.ge [sflag:s11], $0x8000  }
0x93: {  	[sflag:s11] =	ssyncset.done $0x0  }
0x94: {  	s1 =	rddreg [dreg:$0x18];
	[sflag:s11] =	ssyncadd.s32 $0xFFFF8000  }
0x95: {  	[hbm4b:s1+s2] =	stream.linear.scatter [tilespmem:s9], [sflag:$0x5], $0x8000, $0x38;
	[tilespmem:$0x18E00] =	vst v63  }
0x96: {  	_ =	swait.ge [sflag:s17], $0x200  }
0x97: {  	[sflag:s17] =	ssyncset.done $0x0  }
0x98: {  	[sflag:s17] =	ssyncadd.s32 $0xFFFFFE00  }
0x99: {  	_ =	swait.ge [sflag:s6], $0x8000  }
0x9a: {  	[sflag:s6] =	ssyncset.done $0x0  }
0x9b: {  	[sflag:s6] =	ssyncadd.s32 $0xFFFF8000  }
0x9c: {  	[tilespmem:s9], [sflag:$0x2] =	stream.indirect.gather [hbm4b:s3+s14], $0x80, s16, s14, $0xb8;
	[tilespmem:$0x18E00] =	vst v63  }
0x9d: {  	_ =	swait.ge [sflag:s10], $0x8000  }
0x9e: {  	[sflag:s10] =	ssyncset.done $0x0  }
0x9f: {  	s1 =	rddreg [dreg:$0x19];
	[sflag:s10] =	ssyncadd.s32 $0xFFFF8000  }
0xa0: {  	[hbm4b:s1+s2] =	stream.linear.scatter [tilespmem:s8], [sflag:$0x6], $0x8000, $0x38;
	[tilespmem:$0x18E00] =	vst v63  }
0xa1: {  	_ =	swait.ge [sflag:s7], $0x8000  }
0xa2: {  	[sflag:s7] =	ssyncset.done $0x0  }
0xa3: {  	[sflag:s7] =	ssyncadd.s32 $0xFFFF8000  }
0xa4: {  	[tilespmem:s8], [sflag:$0x3] =	stream.indirect.gather [hbm4b:s3+s14], $0x80, s22, s14, $0xb8;
	[tilespmem:$0x18E00] =	vst v63  }
0xa5: {  	_ =	swait.ge [sflag:s15], $0x8000  }
0xa6: {  	[sflag:s15] =	ssyncset.done $0x0  }
0xa7: {  	s1 =	rddreg [dreg:$0x1a];
	[sflag:s15] =	ssyncadd.s32 $0xFFFF8000  }
0xa8: {  	[hbm4b:s1+s2] =	stream.linear.scatter [tilespmem:s13], [sflag:$0x7], $0x8000, $0x38;
	[tilespmem:$0x18E00] =	vst v63  }
0xa9: {  	_ =	swait.ge [sflag:s11], $0x8000  }
0xaa: {  	[sflag:s11] =	ssyncset.done $0x0  }
0xab: {  	[sflag:s11] =	ssyncadd.s32 $0xFFFF8000  }
0xac: {  	[hbm4b:s5+s2] =	stream.linear.scatter [tilespmem:s9], [sflag:$0x5], $0x8000, $0x38;
	[tilespmem:$0x18E00] =	vst v63  }
0xad: {  	_ =	swait.ge [sflag:s10], $0x8000  }
0xae: {  	[sflag:s10] =	ssyncset.done $0x0  }
0xaf: {  	[sflag:s10] =	ssyncadd.s32 $0xFFFF8000  }
0xb0: {  	[hbm4b:s4+s2] =	stream.linear.scatter [tilespmem:s8], [sflag:$0x6], $0x8000, $0x38;
	[tilespmem:$0x18E00] =	vst v63  }
0xb1: {  	_ =	swait.ge [sflag:s12], $0x8000  }
0xb2: {  	[sflag:s12] =	ssyncset.done $0x0  }
0xb3: {  	p1 =	sne.s32 s18, $0x1;
	[sflag:s12] =	ssyncadd.s32 $0xFFFF8000  }
.Ltmp1:
0xb4: {  	_ =	swait.ge [sflag:s6], $0x8000;
	(pc) =	sbr.rel @!p1 .LBB2_3-.Ltmp1, $4  }
0xb5: {  	[sflag:s6] =	ssyncset.done $0x0  }
0xb6: {  	[sflag:s6] =	ssyncadd.s32 $0xFFFF8000  }
0xb7: {  	p0 =	por $0x1, $0x1;
	_ =	swait.ge [sflag:s7], $0x8000  }
0xb8: {  	s1 =	sadd.s32 $0xFFFFFFFF, s18;
	s0 =	rddreg [dreg:$0x9];
	[sflag:s7] =	ssyncset.done $0x0  }
.LBB2_4:
0xb9: {  	[sflag:s7] =	ssyncadd.s32 $0xFFFF8000  }
0xba: {  	[tilespmem:s2], [sflag:$0x1] =	stream.linear.gather [hbm4b:s0+s2], $0x200, $0x38;
	[tilespmem:$0x18E00] =	vst v63  }
0xbb: {  	s18 =	rddreg [dreg:$0xa]  }
0xbc: {  	[tilespmem:s30], [sflag:$0x1] =	stream.linear.gather [hbm4b:s18+s2], $0x200, $0x38;
	[tilespmem:$0x18E00] =	vst v63  }
0xbd: {  	s0 =	rddreg [dreg:$0xb]  }
0xbe: {  	[tilespmem:s28], [sflag:$0x1] =	stream.linear.gather [hbm4b:s0+s2], $0x200, $0x38;
	[tilespmem:$0x18E00] =	vst v63  }
0xbf: {  	s18 =	rddreg [dreg:$0xc]  }
0xc0: {  	[tilespmem:s25], [sflag:$0x1] =	stream.linear.gather [hbm4b:s18+s2], $0x200, $0x38;
	[tilespmem:$0x18E00] =	vst v63  }
0xc1: {  	s0 =	rddreg [dreg:$0xd]  }
0xc2: {  	[tilespmem:s23], [sflag:$0x1] =	stream.linear.gather [hbm4b:s0+s2], $0x200, $0x38;
	[tilespmem:$0x18E00] =	vst v63  }
0xc3: {  	s18 =	rddreg [dreg:$0xe]  }
0xc4: {  	[tilespmem:s19], [sflag:$0x1] =	stream.linear.gather [hbm4b:s18+s2], $0x200, $0x38;
	[tilespmem:$0x18E00] =	vst v63  }
0xc5: {  	s0 =	rddreg [dreg:$0xf]  }
0xc6: {  	[tilespmem:s16], [sflag:$0x1] =	stream.linear.gather [hbm4b:s0+s2], $0x200, $0x38;
	[tilespmem:$0x18E00] =	vst v63  }
0xc7: {  	_ =	swait.ge [sflag:s17], $0x200  }
0xc8: {  	[sflag:s17] =	ssyncset.done $0x0  }
0xc9: {  	[sflag:s17] =	ssyncadd.s32 $0xFFFFFE00  }
0xca: {  	[tilespmem:s9], [sflag:$0x2] =	stream.indirect.gather [hbm4b:s20+s14], $0x80, s2, s14, $0xb8;
	[tilespmem:$0x18E00] =	vst v63  }
0xcb: {  	_ = 	snop  }
0xcc: {  	[tilespmem:s8], [sflag:$0x3] =	stream.indirect.gather [hbm4b:s20+s14], $0x80, s14, s14, $0xb8;
	[tilespmem:$0x18E00] =	vst v63  }
0xcd: {  	_ =	swait.ge [sflag:s17], $0x200  }
0xce: {  	[sflag:s17] =	ssyncset.done $0x0  }
0xcf: {  	[sflag:s17] =	ssyncadd.s32 $0xFFFFFE00  }
0xd0: {  	[tilespmem:s13], [sflag:$0x4] =	stream.indirect.gather [hbm4b:s3+s14], $0x80, s30, s14, $0xb8;
	[tilespmem:$0x18E00] =	vst v63  }
0xd1: {  	_ =	swait.ge [sflag:s11], $0x8000  }
0xd2: {  	[sflag:s11] =	ssyncset.done $0x0  }
0xd3: {  	s18 =	rddreg [dreg:$0x10];
	[sflag:s11] =	ssyncadd.s32 $0xFFFF8000  }
0xd4: {  	[hbm4b:s18+s2] =	stream.linear.scatter [tilespmem:s9], [sflag:$0x5], $0x8000, $0x38;
	[tilespmem:$0x18E00] =	vst v63  }
0xd5: {  	_ =	swait.ge [sflag:s6], $0x8000  }
0xd6: {  	[sflag:s6] =	ssyncset.done $0x0  }
0xd7: {  	s18 =	simm.s32 $0x300;
	[sflag:s6] =	ssyncadd.s32 $0xFFFF8000  }
0xd8: {  	[tilespmem:s9], [sflag:$0x2] =	stream.indirect.gather [hbm4b:s3+s14], $0x80, s18, s14, $0xb8;
	[tilespmem:$0x18E00] =	vst v63  }
0xd9: {  	_ =	swait.ge [sflag:s10], $0x8000  }
0xda: {  	[sflag:s10] =	ssyncset.done $0x0  }
0xdb: {  	s18 =	rddreg [dreg:$0x11];
	[sflag:s10] =	ssyncadd.s32 $0xFFFF8000  }
0xdc: {  	[hbm4b:s18+s2] =	stream.linear.scatter [tilespmem:s8], [sflag:$0x6], $0x8000, $0x38;
	[tilespmem:$0x18E00] =	vst v63  }
0xdd: {  	_ =	swait.ge [sflag:s17], $0x200  }
0xde: {  	[sflag:s17] =	ssyncset.done $0x0  }
0xdf: {  	[sflag:s17] =	ssyncadd.s32 $0xFFFFFE00  }
0xe0: {  	_ =	swait.ge [sflag:s7], $0x8000  }
0xe1: {  	[sflag:s7] =	ssyncset.done $0x0  }
0xe2: {  	[sflag:s7] =	ssyncadd.s32 $0xFFFF8000  }
0xe3: {  	[tilespmem:s8], [sflag:$0x3] =	stream.indirect.gather [hbm4b:s3+s14], $0x80, s28, s14, $0xb8;
	[tilespmem:$0x18E00] =	vst v63  }
0xe4: {  	_ =	swait.ge [sflag:s15], $0x8000  }
0xe5: {  	[sflag:s15] =	ssyncset.done $0x0  }
0xe6: {  	s18 =	rddreg [dreg:$0x12];
	[sflag:s15] =	ssyncadd.s32 $0xFFFF8000  }
0xe7: {  	[hbm4b:s18+s2] =	stream.linear.scatter [tilespmem:s13], [sflag:$0x7], $0x8000, $0x38;
	[tilespmem:$0x18E00] =	vst v63  }
0xe8: {  	_ =	swait.ge [sflag:s12], $0x8000  }
0xe9: {  	[sflag:s12] =	ssyncset.done $0x0  }
0xea: {  	[sflag:s12] =	ssyncadd.s32 $0xFFFF8000  }
0xeb: {  	[tilespmem:s13], [sflag:$0x4] =	stream.indirect.gather [hbm4b:s3+s14], $0x80, s31, s14, $0xb8;
	[tilespmem:$0x18E00] =	vst v63  }
0xec: {  	_ =	swait.ge [sflag:s11], $0x8000  }
0xed: {  	[sflag:s11] =	ssyncset.done $0x0  }
0xee: {  	s18 =	rddreg [dreg:$0x13];
	[sflag:s11] =	ssyncadd.s32 $0xFFFF8000  }
0xef: {  	[hbm4b:s18+s2] =	stream.linear.scatter [tilespmem:s9], [sflag:$0x5], $0x8000, $0x38;
	[tilespmem:$0x18E00] =	vst v63  }
0xf0: {  	_ =	swait.ge [sflag:s17], $0x200  }
0xf1: {  	[sflag:s17] =	ssyncset.done $0x0  }
0xf2: {  	[sflag:s17] =	ssyncadd.s32 $0xFFFFFE00  }
0xf3: {  	_ =	swait.ge [sflag:s6], $0x8000  }
0xf4: {  	[sflag:s6] =	ssyncset.done $0x0  }
0xf5: {  	[sflag:s6] =	ssyncadd.s32 $0xFFFF8000  }
0xf6: {  	[tilespmem:s9], [sflag:$0x2] =	stream.indirect.gather [hbm4b:s3+s14], $0x80, s25, s14, $0xb8;
	[tilespmem:$0x18E00] =	vst v63  }
0xf7: {  	_ =	swait.ge [sflag:s10], $0x8000  }
0xf8: {  	[sflag:s10] =	ssyncset.done $0x0  }
0xf9: {  	[sflag:s10] =	ssyncadd.s32 $0xFFFF8000  }
0xfa: {  	[hbm4b:s21+s2] =	stream.linear.scatter [tilespmem:s8], [sflag:$0x6], $0x8000, $0x38;
	[tilespmem:$0x18E00] =	vst v63  }
0xfb: {  	_ =	swait.ge [sflag:s7], $0x8000  }
0xfc: {  	[sflag:s7] =	ssyncset.done $0x0  }
0xfd: {  	[sflag:s7] =	ssyncadd.s32 $0xFFFF8000  }
0xfe: {  	[tilespmem:s8], [sflag:$0x3] =	stream.indirect.gather [hbm4b:s3+s14], $0x80, s29, s14, $0xb8;
	[tilespmem:$0x18E00] =	vst v63  }
0xff: {  	_ =	swait.ge [sflag:s15], $0x8000  }
0x100: {  	[sflag:s15] =	ssyncset.done $0x0  }
0x101: {  	s18 =	rddreg [dreg:$0x14];
	[sflag:s15] =	ssyncadd.s32 $0xFFFF8000  }
0x102: {  	[hbm4b:s18+s2] =	stream.linear.scatter [tilespmem:s13], [sflag:$0x7], $0x8000, $0x38;
	[tilespmem:$0x18E00] =	vst v63  }
0x103: {  	_ =	swait.ge [sflag:s17], $0x200  }
0x104: {  	[sflag:s17] =	ssyncset.done $0x0  }
0x105: {  	[sflag:s17] =	ssyncadd.s32 $0xFFFFFE00  }
0x106: {  	_ =	swait.ge [sflag:s12], $0x8000  }
0x107: {  	[sflag:s12] =	ssyncset.done $0x0  }
0x108: {  	[sflag:s12] =	ssyncadd.s32 $0xFFFF8000  }
0x109: {  	[tilespmem:s13], [sflag:$0x4] =	stream.indirect.gather [hbm4b:s3+s14], $0x80, s23, s14, $0xb8;
	[tilespmem:$0x18E00] =	vst v63  }
0x10a: {  	_ =	swait.ge [sflag:s11], $0x8000  }
0x10b: {  	[sflag:s11] =	ssyncset.done $0x0  }
0x10c: {  	s18 =	rddreg [dreg:$0x15];
	[sflag:s11] =	ssyncadd.s32 $0xFFFF8000  }
0x10d: {  	[hbm4b:s18+s2] =	stream.linear.scatter [tilespmem:s9], [sflag:$0x5], $0x8000, $0x38;
	[tilespmem:$0x18E00] =	vst v63  }
0x10e: {  	_ =	swait.ge [sflag:s6], $0x8000  }
0x10f: {  	[sflag:s6] =	ssyncset.done $0x0  }
0x110: {  	[sflag:s6] =	ssyncadd.s32 $0xFFFF8000  }
0x111: {  	[tilespmem:s9], [sflag:$0x2] =	stream.indirect.gather [hbm4b:s3+s14], $0x80, s26, s14, $0xb8;
	[tilespmem:$0x18E00] =	vst v63  }
0x112: {  	_ =	swait.ge [sflag:s10], $0x8000  }
0x113: {  	[sflag:s10] =	ssyncset.done $0x0  }
0x114: {  	s18 =	rddreg [dreg:$0x16];
	[sflag:s10] =	ssyncadd.s32 $0xFFFF8000  }
0x115: {  	[hbm4b:s18+s2] =	stream.linear.scatter [tilespmem:s8], [sflag:$0x6], $0x8000, $0x38;
	[tilespmem:$0x18E00] =	vst v63  }
0x116: {  	_ =	swait.ge [sflag:s17], $0x200  }
0x117: {  	[sflag:s17] =	ssyncset.done $0x0  }
0x118: {  	[sflag:s17] =	ssyncadd.s32 $0xFFFFFE00  }
0x119: {  	_ =	swait.ge [sflag:s7], $0x8000  }
0x11a: {  	[sflag:s7] =	ssyncset.done $0x0  }
0x11b: {  	[sflag:s7] =	ssyncadd.s32 $0xFFFF8000  }
0x11c: {  	[tilespmem:s8], [sflag:$0x3] =	stream.indirect.gather [hbm4b:s3+s14], $0x80, s19, s14, $0xb8;
	[tilespmem:$0x18E00] =	vst v63  }
0x11d: {  	_ =	swait.ge [sflag:s15], $0x8000  }
0x11e: {  	[sflag:s15] =	ssyncset.done $0x0  }
0x11f: {  	s18 =	rddreg [dreg:$0x17];
	[sflag:s15] =	ssyncadd.s32 $0xFFFF8000  }
0x120: {  	[hbm4b:s18+s2] =	stream.linear.scatter [tilespmem:s13], [sflag:$0x7], $0x8000, $0x38;
	[tilespmem:$0x18E00] =	vst v63  }
0x121: {  	_ =	swait.ge [sflag:s12], $0x8000  }
0x122: {  	[sflag:s12] =	ssyncset.done $0x0  }
0x123: {  	[sflag:s12] =	ssyncadd.s32 $0xFFFF8000  }
0x124: {  	[tilespmem:s13], [sflag:$0x4] =	stream.indirect.gather [hbm4b:s3+s14], $0x80, s24, s14, $0xb8;
	[tilespmem:$0x18E00] =	vst v63  }
0x125: {  	_ =	swait.ge [sflag:s11], $0x8000  }
0x126: {  	[sflag:s11] =	ssyncset.done $0x0  }
0x127: {  	s18 =	rddreg [dreg:$0x18];
	[sflag:s11] =	ssyncadd.s32 $0xFFFF8000  }
0x128: {  	[hbm4b:s18+s2] =	stream.linear.scatter [tilespmem:s9], [sflag:$0x5], $0x8000, $0x38;
	[tilespmem:$0x18E00] =	vst v63  }
0x129: {  	_ =	swait.ge [sflag:s17], $0x200  }
0x12a: {  	[sflag:s17] =	ssyncset.done $0x0  }
0x12b: {  	[sflag:s17] =	ssyncadd.s32 $0xFFFFFE00  }
0x12c: {  	_ =	swait.ge [sflag:s6], $0x8000  }
0x12d: {  	[sflag:s6] =	ssyncset.done $0x0  }
0x12e: {  	[sflag:s6] =	ssyncadd.s32 $0xFFFF8000  }
0x12f: {  	[tilespmem:s9], [sflag:$0x2] =	stream.indirect.gather [hbm4b:s3+s14], $0x80, s16, s14, $0xb8;
	[tilespmem:$0x18E00] =	vst v63  }
0x130: {  	_ =	swait.ge [sflag:s10], $0x8000  }
0x131: {  	[sflag:s10] =	ssyncset.done $0x0  }
0x132: {  	s18 =	rddreg [dreg:$0x19];
	[sflag:s10] =	ssyncadd.s32 $0xFFFF8000  }
0x133: {  	[hbm4b:s18+s2] =	stream.linear.scatter [tilespmem:s8], [sflag:$0x6], $0x8000, $0x38;
	[tilespmem:$0x18E00] =	vst v63  }
0x134: {  	_ =	swait.ge [sflag:s7], $0x8000  }
0x135: {  	[sflag:s7] =	ssyncset.done $0x0  }
0x136: {  	[sflag:s7] =	ssyncadd.s32 $0xFFFF8000  }
0x137: {  	[tilespmem:s8], [sflag:$0x3] =	stream.indirect.gather [hbm4b:s3+s14], $0x80, s22, s14, $0xb8;
	[tilespmem:$0x18E00] =	vst v63  }
0x138: {  	_ =	swait.ge [sflag:s15], $0x8000  }
0x139: {  	[sflag:s15] =	ssyncset.done $0x0  }
0x13a: {  	s18 =	rddreg [dreg:$0x1a];
	[sflag:s15] =	ssyncadd.s32 $0xFFFF8000  }
0x13b: {  	[hbm4b:s18+s2] =	stream.linear.scatter [tilespmem:s13], [sflag:$0x7], $0x8000, $0x38;
	[tilespmem:$0x18E00] =	vst v63  }
0x13c: {  	_ =	swait.ge [sflag:s11], $0x8000  }
0x13d: {  	[sflag:s11] =	ssyncset.done $0x0  }
0x13e: {  	[sflag:s11] =	ssyncadd.s32 $0xFFFF8000  }
0x13f: {  	[hbm4b:s5+s2] =	stream.linear.scatter [tilespmem:s9], [sflag:$0x5], $0x8000, $0x38;
	[tilespmem:$0x18E00] =	vst v63  }
0x140: {  	_ =	swait.ge [sflag:s10], $0x8000  }
0x141: {  	[sflag:s10] =	ssyncset.done $0x0  }
0x142: {  	[sflag:s10] =	ssyncadd.s32 $0xFFFF8000  }
0x143: {  	[hbm4b:s4+s2] =	stream.linear.scatter [tilespmem:s8], [sflag:$0x6], $0x8000, $0x38;
	[tilespmem:$0x18E00] =	vst v63  }
0x144: {  	_ =	swait.ge [sflag:s12], $0x8000  }
0x145: {  	[sflag:s12] =	ssyncset.done $0x0  }
0x146: {  	p1 =	sne.s32 s1, $0x1;
	[sflag:s12] =	ssyncadd.s32 $0xFFFF8000  }
.Ltmp2:
0x147: {  	_ =	swait.ge [sflag:s6], $0x8000;
	(pc) =	sbr.rel @p1 .LBB2_4-.Ltmp2, $4  }
0x148: {  	[sflag:s6] =	ssyncset.done $0x0  }
0x149: {  	[sflag:s6] =	ssyncadd.s32 $0xFFFF8000  }
0x14a: {  	_ =	swait.ge [sflag:s7], $0x8000  }
0x14b: {  	s1 =	sadd.s32 $0xFFFFFFFF, s1;
	s0 =	rddreg [dreg:$0x9];
	[sflag:s7] =	ssyncset.done $0x0  }
0x14c: {  	s22 =	simm.s32 $0x300;
	s31 =	simm.s32 $0x500;
	s29 =	simm.s32 $0x700  }
0x14d: {  	s26 =	simm.s32 $0x900;
	s24 =	simm.s32 $0xB00;
	s18 =	stileid.u32  }
.LBB2_6:
0x14e: {  	[sflag:s7] =	ssyncadd.s32 @p0 $0xFFFF8000  }
0x14f: {  	[tilespmem:s2], [sflag:$0x1] =	stream.linear.gather [hbm4b:s0+s2], $0x200, $0x38;
	[tilespmem:$0x18E00] =	vst v63  }
0x150: {  	s1 =	rddreg [dreg:$0xa]  }
0x151: {  	[tilespmem:s30], [sflag:$0x1] =	stream.linear.gather [hbm4b:s1+s2], $0x200, $0x38;
	[tilespmem:$0x18E00] =	vst v63  }
0x152: {  	s0 =	rddreg [dreg:$0xb]  }
0x153: {  	[tilespmem:s28], [sflag:$0x1] =	stream.linear.gather [hbm4b:s0+s2], $0x200, $0x38;
	[tilespmem:$0x18E00] =	vst v63  }
0x154: {  	s1 =	rddreg [dreg:$0xc]  }
0x155: {  	[tilespmem:s25], [sflag:$0x1] =	stream.linear.gather [hbm4b:s1+s2], $0x200, $0x38;
	[tilespmem:$0x18E00] =	vst v63  }
0x156: {  	s0 =	rddreg [dreg:$0xd]  }
0x157: {  	[tilespmem:s23], [sflag:$0x1] =	stream.linear.gather [hbm4b:s0+s2], $0x200, $0x38;
	[tilespmem:$0x18E00] =	vst v63  }
0x158: {  	s1 =	rddreg [dreg:$0xe]  }
0x159: {  	[tilespmem:s19], [sflag:$0x1] =	stream.linear.gather [hbm4b:s1+s2], $0x200, $0x38;
	[tilespmem:$0x18E00] =	vst v63  }
0x15a: {  	s0 =	rddreg [dreg:$0xf]  }
0x15b: {  	[tilespmem:s16], [sflag:$0x1] =	stream.linear.gather [hbm4b:s0+s2], $0x200, $0x38;
	[tilespmem:$0x18E00] =	vst v63  }
0x15c: {  	_ =	swait.ge [sflag:s17], $0x200  }
0x15d: {  	[sflag:s17] =	ssyncset.done $0x0  }
0x15e: {  	[sflag:s17] =	ssyncadd.s32 $0xFFFFFE00  }
0x15f: {  	[tilespmem:s9], [sflag:$0x2] =	stream.indirect.gather [hbm4b:s20+s14], $0x80, s2, s14, $0xb8;
	[tilespmem:$0x18E00] =	vst v63  }
0x160: {  	_ = 	snop  }
0x161: {  	[tilespmem:s8], [sflag:$0x3] =	stream.indirect.gather [hbm4b:s20+s14], $0x80, s14, s14, $0xb8;
	[tilespmem:$0x18E00] =	vst v63  }
0x162: {  	_ =	swait.ge [sflag:s17], $0x200  }
0x163: {  	[sflag:s17] =	ssyncset.done $0x0  }
0x164: {  	[sflag:s17] =	ssyncadd.s32 $0xFFFFFE00  }
0x165: {  	[tilespmem:s13], [sflag:$0x4] =	stream.indirect.gather [hbm4b:s3+s14], $0x80, s30, s14, $0xb8;
	[tilespmem:$0x18E00] =	vst v63  }
0x166: {  	_ =	swait.ge [sflag:s11], $0x8000  }
0x167: {  	[sflag:s11] =	ssyncset.done $0x0  }
0x168: {  	s20 =	rddreg [dreg:$0x10];
	[sflag:s11] =	ssyncadd.s32 $0xFFFF8000  }
0x169: {  	[hbm4b:s20+s2] =	stream.linear.scatter [tilespmem:s9], [sflag:$0x5], $0x8000, $0x38;
	[tilespmem:$0x18E00] =	vst v63  }
0x16a: {  	_ =	swait.ge [sflag:s6], $0x8000  }
0x16b: {  	[sflag:s6] =	ssyncset.done $0x0  }
0x16c: {  	[sflag:s6] =	ssyncadd.s32 $0xFFFF8000  }
0x16d: {  	[tilespmem:s9], [sflag:$0x2] =	stream.indirect.gather [hbm4b:s3+s14], $0x80, s22, s14, $0xb8;
	[tilespmem:$0x18E00] =	vst v63  }
0x16e: {  	_ =	swait.ge [sflag:s10], $0x8000  }
0x16f: {  	[sflag:s10] =	ssyncset.done $0x0  }
0x170: {  	s30 =	rddreg [dreg:$0x11];
	[sflag:s10] =	ssyncadd.s32 $0xFFFF8000  }
0x171: {  	[hbm4b:s30+s2] =	stream.linear.scatter [tilespmem:s8], [sflag:$0x6], $0x8000, $0x38;
	[tilespmem:$0x18E00] =	vst v63  }
0x172: {  	_ =	swait.ge [sflag:s17], $0x200  }
0x173: {  	[sflag:s17] =	ssyncset.done $0x0  }
0x174: {  	[sflag:s17] =	ssyncadd.s32 $0xFFFFFE00  }
0x175: {  	_ =	swait.ge [sflag:s7], $0x8000  }
0x176: {  	[sflag:s7] =	ssyncset.done $0x0  }
0x177: {  	[sflag:s7] =	ssyncadd.s32 $0xFFFF8000  }
0x178: {  	[tilespmem:s8], [sflag:$0x3] =	stream.indirect.gather [hbm4b:s3+s14], $0x80, s28, s14, $0xb8;
	[tilespmem:$0x18E00] =	vst v63  }
0x179: {  	_ =	swait.ge [sflag:s15], $0x8000  }
0x17a: {  	[sflag:s15] =	ssyncset.done $0x0  }
0x17b: {  	s1 =	rddreg [dreg:$0x12];
	[sflag:s15] =	ssyncadd.s32 $0xFFFF8000  }
0x17c: {  	[hbm4b:s1+s2] =	stream.linear.scatter [tilespmem:s13], [sflag:$0x7], $0x8000, $0x38;
	[tilespmem:$0x18E00] =	vst v63  }
0x17d: {  	_ =	swait.ge [sflag:s12], $0x8000  }
0x17e: {  	[sflag:s12] =	ssyncset.done $0x0  }
0x17f: {  	[sflag:s12] =	ssyncadd.s32 $0xFFFF8000  }
0x180: {  	[tilespmem:s13], [sflag:$0x4] =	stream.indirect.gather [hbm4b:s3+s14], $0x80, s31, s14, $0xb8;
	[tilespmem:$0x18E00] =	vst v63  }
0x181: {  	_ =	swait.ge [sflag:s11], $0x8000  }
0x182: {  	[sflag:s11] =	ssyncset.done $0x0  }
0x183: {  	s20 =	rddreg [dreg:$0x13];
	[sflag:s11] =	ssyncadd.s32 $0xFFFF8000  }
0x184: {  	[hbm4b:s20+s2] =	stream.linear.scatter [tilespmem:s9], [sflag:$0x5], $0x8000, $0x38;
	[tilespmem:$0x18E00] =	vst v63  }
0x185: {  	_ =	swait.ge [sflag:s17], $0x200  }
0x186: {  	[sflag:s17] =	ssyncset.done $0x0  }
0x187: {  	[sflag:s17] =	ssyncadd.s32 $0xFFFFFE00  }
0x188: {  	_ =	swait.ge [sflag:s6], $0x8000  }
0x189: {  	[sflag:s6] =	ssyncset.done $0x0  }
0x18a: {  	[sflag:s6] =	ssyncadd.s32 $0xFFFF8000  }
0x18b: {  	[tilespmem:s9], [sflag:$0x2] =	stream.indirect.gather [hbm4b:s3+s14], $0x80, s25, s14, $0xb8;
	[tilespmem:$0x18E00] =	vst v63  }
0x18c: {  	_ =	swait.ge [sflag:s10], $0x8000  }
0x18d: {  	[sflag:s10] =	ssyncset.done $0x0  }
0x18e: {  	[sflag:s10] =	ssyncadd.s32 $0xFFFF8000  }
0x18f: {  	[hbm4b:s21+s2] =	stream.linear.scatter [tilespmem:s8], [sflag:$0x6], $0x8000, $0x38;
	[tilespmem:$0x18E00] =	vst v63  }
0x190: {  	_ =	swait.ge [sflag:s7], $0x8000  }
0x191: {  	[sflag:s7] =	ssyncset.done $0x0  }
0x192: {  	[sflag:s7] =	ssyncadd.s32 $0xFFFF8000  }
0x193: {  	[tilespmem:s8], [sflag:$0x3] =	stream.indirect.gather [hbm4b:s3+s14], $0x80, s29, s14, $0xb8;
	[tilespmem:$0x18E00] =	vst v63  }
0x194: {  	_ =	swait.ge [sflag:s15], $0x8000  }
0x195: {  	[sflag:s15] =	ssyncset.done $0x0  }
0x196: {  	s22 =	rddreg [dreg:$0x14];
	[sflag:s15] =	ssyncadd.s32 $0xFFFF8000  }
0x197: {  	[hbm4b:s22+s2] =	stream.linear.scatter [tilespmem:s13], [sflag:$0x7], $0x8000, $0x38;
	[tilespmem:$0x18E00] =	vst v63  }
0x198: {  	_ =	swait.ge [sflag:s17], $0x200  }
0x199: {  	[sflag:s17] =	ssyncset.done $0x0  }
0x19a: {  	[sflag:s17] =	ssyncadd.s32 $0xFFFFFE00  }
0x19b: {  	_ =	swait.ge [sflag:s12], $0x8000  }
0x19c: {  	[sflag:s12] =	ssyncset.done $0x0  }
0x19d: {  	[sflag:s12] =	ssyncadd.s32 $0xFFFF8000  }
0x19e: {  	[tilespmem:s13], [sflag:$0x4] =	stream.indirect.gather [hbm4b:s3+s14], $0x80, s23, s14, $0xb8;
	[tilespmem:$0x18E00] =	vst v63  }
0x19f: {  	_ =	swait.ge [sflag:s11], $0x8000  }
0x1a0: {  	[sflag:s11] =	ssyncset.done $0x0  }
0x1a1: {  	s23 =	rddreg [dreg:$0x15];
	[sflag:s11] =	ssyncadd.s32 $0xFFFF8000  }
0x1a2: {  	[hbm4b:s23+s2] =	stream.linear.scatter [tilespmem:s9], [sflag:$0x5], $0x8000, $0x38;
	[tilespmem:$0x18E00] =	vst v63  }
0x1a3: {  	_ =	swait.ge [sflag:s6], $0x8000  }
0x1a4: {  	[sflag:s6] =	ssyncset.done $0x0  }
0x1a5: {  	[sflag:s6] =	ssyncadd.s32 $0xFFFF8000  }
0x1a6: {  	[tilespmem:s9], [sflag:$0x2] =	stream.indirect.gather [hbm4b:s3+s14], $0x80, s26, s14, $0xb8;
	[tilespmem:$0x18E00] =	vst v63  }
0x1a7: {  	_ =	swait.ge [sflag:s10], $0x8000  }
0x1a8: {  	[sflag:s10] =	ssyncset.done $0x0  }
0x1a9: {  	s25 =	rddreg [dreg:$0x16];
	[sflag:s10] =	ssyncadd.s32 $0xFFFF8000  }
0x1aa: {  	[hbm4b:s25+s2] =	stream.linear.scatter [tilespmem:s8], [sflag:$0x6], $0x8000, $0x38;
	[tilespmem:$0x18E00] =	vst v63  }
0x1ab: {  	_ =	swait.ge [sflag:s17], $0x200  }
0x1ac: {  	[sflag:s17] =	ssyncset.done $0x0  }
0x1ad: {  	[sflag:s17] =	ssyncadd.s32 $0xFFFFFE00  }
0x1ae: {  	_ =	swait.ge [sflag:s7], $0x8000  }
0x1af: {  	[sflag:s7] =	ssyncset.done $0x0  }
0x1b0: {  	[sflag:s7] =	ssyncadd.s32 $0xFFFF8000  }
0x1b1: {  	[tilespmem:s8], [sflag:$0x3] =	stream.indirect.gather [hbm4b:s3+s14], $0x80, s19, s14, $0xb8;
	[tilespmem:$0x18E00] =	vst v63  }
0x1b2: {  	_ =	swait.ge [sflag:s15], $0x8000  }
0x1b3: {  	[sflag:s15] =	ssyncset.done $0x0  }
0x1b4: {  	s26 =	rddreg [dreg:$0x17];
	[sflag:s15] =	ssyncadd.s32 $0xFFFF8000  }
0x1b5: {  	[hbm4b:s26+s2] =	stream.linear.scatter [tilespmem:s13], [sflag:$0x7], $0x8000, $0x38;
	[tilespmem:$0x18E00] =	vst v63  }
0x1b6: {  	_ =	swait.ge [sflag:s12], $0x8000  }
0x1b7: {  	[sflag:s12] =	ssyncset.done $0x0  }
0x1b8: {  	[sflag:s12] =	ssyncadd.s32 $0xFFFF8000  }
0x1b9: {  	[tilespmem:s13], [sflag:$0x4] =	stream.indirect.gather [hbm4b:s3+s14], $0x80, s24, s14, $0xb8;
	[tilespmem:$0x18E00] =	vst v63  }
0x1ba: {  	_ =	swait.ge [sflag:s11], $0x8000  }
0x1bb: {  	[sflag:s11] =	ssyncset.done $0x0  }
0x1bc: {  	s28 =	rddreg [dreg:$0x18];
	[sflag:s11] =	ssyncadd.s32 $0xFFFF8000  }
0x1bd: {  	[hbm4b:s28+s2] =	stream.linear.scatter [tilespmem:s9], [sflag:$0x5], $0x8000, $0x38;
	[tilespmem:$0x18E00] =	vst v63  }
0x1be: {  	_ =	swait.ge [sflag:s17], $0x200  }
0x1bf: {  	[sflag:s17] =	ssyncset.done $0x0  }
0x1c0: {  	[sflag:s17] =	ssyncadd.s32 $0xFFFFFE00  }
0x1c1: {  	_ =	swait.ge [sflag:s6], $0x8000  }
0x1c2: {  	[sflag:s6] =	ssyncset.done $0x0  }
0x1c3: {  	[sflag:s6] =	ssyncadd.s32 $0xFFFF8000  }
0x1c4: {  	[tilespmem:s9], [sflag:$0x2] =	stream.indirect.gather [hbm4b:s3+s14], $0x80, s16, s14, $0xb8;
	[tilespmem:$0x18E00] =	vst v63  }
0x1c5: {  	_ =	swait.ge [sflag:s10], $0x8000  }
0x1c6: {  	[sflag:s10] =	ssyncset.done $0x0  }
0x1c7: {  	s29 =	rddreg [dreg:$0x19];
	[sflag:s10] =	ssyncadd.s32 $0xFFFF8000  }
0x1c8: {  	[hbm4b:s29+s2] =	stream.linear.scatter [tilespmem:s8], [sflag:$0x6], $0x8000, $0x38;
	[tilespmem:$0x18E00] =	vst v63  }
0x1c9: {  	_ =	swait.ge [sflag:s7], $0x8000  }
0x1ca: {  	[sflag:s7] =	ssyncset.done $0x0  }
0x1cb: {  	s30 =	simm.s32 $0xD00;
	[sflag:s7] =	ssyncadd.s32 $0xFFFF8000  }
0x1cc: {  	[tilespmem:s8], [sflag:$0x3] =	stream.indirect.gather [hbm4b:s3+s14], $0x80, s30, s14, $0xb8;
	[tilespmem:$0x18E00] =	vst v63  }
0x1cd: {  	_ =	swait.ge [sflag:s15], $0x8000  }
0x1ce: {  	[sflag:s15] =	ssyncset.done $0x0  }
0x1cf: {  	s31 =	rddreg [dreg:$0x1a];
	[sflag:s15] =	ssyncadd.s32 $0xFFFF8000  }
0x1d0: {  	[hbm4b:s31+s2] =	stream.linear.scatter [tilespmem:s13], [sflag:$0x7], $0x8000, $0x38;
	[tilespmem:$0x18E00] =	vst v63  }
0x1d1: {  	_ =	swait.ge [sflag:s11], $0x8000  }
0x1d2: {  	[sflag:s11] =	ssyncset.done $0x0  }
0x1d3: {  	[sflag:s11] =	ssyncadd.s32 $0xFFFF8000  }
0x1d4: {  	[hbm4b:s5+s2] =	stream.linear.scatter [tilespmem:s9], [sflag:$0x5], $0x8000, $0x38;
	[tilespmem:$0x18E00] =	vst v63  }
0x1d5: {  	_ =	swait.ge [sflag:s10], $0x8000  }
0x1d6: {  	[sflag:s10] =	ssyncset.done $0x0  }
0x1d7: {  	[sflag:s10] =	ssyncadd.s32 $0xFFFF8000  }
0x1d8: {  	[hbm4b:s4+s2] =	stream.linear.scatter [tilespmem:s8], [sflag:$0x6], $0x8000, $0x38;
	[tilespmem:$0x18E00] =	vst v63  }
0x1d9: {  	_ =	swait.ge [sflag:s12], $0x8000  }
0x1da: {  	[sflag:s12] =	ssyncset.done $0x0  }
0x1db: {  	[sflag:s12] =	ssyncadd.s32 $0xFFFF8000  }
0x1dc: {  	_ =	swait.ge [sflag:s6], $0x8000  }
0x1dd: {  	[sflag:s6] =	ssyncset.done $0x0  }
0x1de: {  	[sflag:s6] =	ssyncadd.s32 $0xFFFF8000  }
0x1df: {  	_ =	swait.ge [sflag:s7], $0x8000  }
0x1e0: {  	[sflag:s7] =	ssyncset.done $0x0  }
0x1e1: {  	[sflag:s7] =	ssyncadd.s32 $0xFFFF8000  }
0x1e2: {  	_ =	sfence.sel $0x180000  }
0x1e3: {  	[bflag:$0x0] =	sbarrier.arrive $0xFFFF  }
0x1e4: {  	_ =	strace $0x90000047  }
0x1e5: {  	[bflag:$0x2] =	sbarrier.arrive $0xFFFF  }
0x1e6: {  	p0 =	sne.s32 s18, $0x0;
	s0 =	rddreg [dreg:$0x8]  }
0x1e7: {  	s0 =	sadd.s32 @!p0 $0x100000, s0  }
0x1e8: {  	[sflag:s0] =	ssyncadd.tile.s32 @!p0 $0x1;
	_ =	shalt  }
.LBB2_1:
.Ltmp3:
0x1e9: {  	(pc) =	sbr.rel .LBB2_6-.Ltmp3, $3  }
0x1ea: {  	_ =	sdelay $0x1  }
0x1eb: {  	s22 =	simm.s32 $0x300;
	s31 =	simm.s32 $0x500  }
0x1ec: {  	s29 =	simm.s32 $0x700;
	s26 =	simm.s32 $0x900;
	s24 =	simm.s32 $0xB00  }
.LBB2_3:
.Ltmp4:
0x1ed: {  	(pc) =	sbr.rel .LBB2_6-.Ltmp4, $3  }
0x1ee: {  	_ =	sdelay $0x1  }
0x1ef: {  	s22 =	simm.s32 $0x300;
	s31 =	simm.s32 $0x500;
	s29 =	simm.s32 $0x700  }
0x1f0: {  	s26 =	simm.s32 $0x900;
	s24 =	simm.s32 $0xB00;
	s18 =	stileid.u32  }
.Lfunc_end2:
_tile_overlayer_lowered:
.L_overlay_start_2:
0x1f1: {  	(tag) =	ssettag $0x2  }
0x1f2: {  	s0 =	rddreg [dreg:$0x0];
	s2 =	stileid.u32  }
0x1f3: {  	s1 =	rddreg [dreg:$0x1];
	p0 =	sne.s32 s2, $0x0  }
0x1f4: {  	s3 =	rddreg [dreg:$0x2];
	[bflag:$0x3] =	sbarrier.arrive $0xFFFF;
	s2 =	simm.s32 @!p0 $0x1C08  }
0x1f5: {  	[timem:s3], [sflag:s2] =	dma.local @!p0 [hbm:s0], s1  }
0x1f6: {  	s0 =	simm.s32 @!p0 $0x8  }
0x1f7: {  	_ =	swait.ge @!p0 [sflag:s0], s1  }
0x1f8: {  	s1 =	ssub.s32 @!p0 $0x0, s1;
	[sflag:s0] =	ssyncset.done @!p0 $0x0  }
0x1f9: {  	[sflag:s0] =	ssyncadd.s32 @!p0 s1  }
0x1fa: {  	[bflag:$0x3] =	sbarrier.arrive $0xFFFF  }
0x1fb: {  	_ =	shalt  }

</sc_bundles>
